<compile_context>
chip_gen: v7x
topology: tpu7x:2x2x1
jax: 0.10.2.dev20260603
libtpu: 0.0.44.dev20260713+nightly
codegen_flags: <defaults>
</compile_context>

<pallas_src>
import functools

import jax
import jax.numpy as jnp
from jax import lax
from jax.experimental import pallas as pl
from jax.experimental.pallas import tpu as pltpu
from jax.experimental.pallas import tpu_sc as plsc

NC = 2
NS = 16
NW = NC * NS

R = 4096
K = 50
D = 128
RPW = R // NW
HC = 64
NCHUNK = K * (RPW // HC)
NBUF = 10
NGROUP = NCHUNK // NBUF


def _make_gather():
    mesh = plsc.VectorSubcoreMesh(core_axis_name="c", subcore_axis_name="s")

    @functools.partial(
        pl.kernel,
        mesh=mesh,
        out_type=jax.ShapeDtypeStruct((K, R, D), jnp.float32),
        scratch_types=[
            pltpu.VMEM((K, RPW), jnp.int32),
        ]
        + [pltpu.VMEM((HC, D), jnp.float32) for _ in range(NBUF)]
        + [pltpu.SemaphoreType.DMA for _ in range(2 * NBUF)],
    )
    def gather_kernel(idx_hbm, table_hbm, out_hbm, idx_v, *bufs_and_sems):
        bufs = bufs_and_sems[:NBUF]
        sem_g = bufs_and_sems[NBUF:2 * NBUF]
        sem_s = bufs_and_sems[2 * NBUF:]
        wid = lax.axis_index("s") * NC + lax.axis_index("c")
        r0 = wid * RPW
        pltpu.sync_copy(idx_hbm.at[:, pl.ds(r0, RPW)], idx_v)

        def gather_desc(c, j):
            k = c % K
            h = c // K
            return pltpu.make_async_copy(
                table_hbm.at[idx_v.at[k, pl.ds(h * HC, HC)]], bufs[j],
                sem_g[j])

        def store_desc(c, j):
            k = c % K
            h = c // K
            return pltpu.make_async_copy(
                bufs[j], out_hbm.at[k, pl.ds(r0 + h * HC, HC)], sem_s[j])

        for j in range(NBUF):
            gather_desc(j, j).start()

        def body(g, carry):
            c0 = g * NBUF
            for j in range(NBUF):
                gather_desc(c0 + j, j).wait()
                store_desc(c0 + j, j).start()
            @pl.when(g < NGROUP - 1)
            def _():
                for j in range(NBUF):
                    store_desc(c0 + j, j).wait()
                    gather_desc(c0 + NBUF + j, j).start()
            return carry

        lax.fori_loop(0, NGROUP, body, 0)
        for j in range(NBUF):
            store_desc((NGROUP - 1) * NBUF + j, j).wait()

    return gather_kernel


_gather = _make_gather()


def kernel(gps_idx, table):
    idx_t = gps_idx.astype(jnp.int32).T
    out_t = _gather(idx_t, table)
    return jnp.transpose(out_t, (1, 0, 2))

# --- scband reference (transcript-rebuilt; emitter-appended) ---
"""Pipeline reference for scband-gpsembeddings-60773787239010 (READ-ONLY COPY).

The authoritative reference and input builder live on the scoring server;
editing this copy changes nothing except your own understanding.
"""

import jax, jax.numpy as jnp
import numpy as np


def setup_inputs(seed: int = 0) -> dict:
    key = jax.random.key(seed)
    k_idx, k_tab = jax.random.split(key)
    gps_idx = jax.random.randint(k_idx, (4096, 50), 0, 100000, dtype=jnp.int64)
    # nn.Embedding default init: N(0, 1)
    table = jax.random.normal(k_tab, (100000, 128), dtype=jnp.float32)
    return {"gps_idx": gps_idx, "table": table}


def reference(gps_idx, table):
    # embedding lookup: gather rows of the table
    embed = jnp.take(table, gps_idx, axis=0)
    return embed

if __name__ == "__main__":
    import jax
    _d = setup_inputs()
    print(jax.jit(kernel)(*tuple(_d.values())))

</pallas_src>

<mosaic_0001>
#map = affine_map<(d0, d1) -> (0, 0)>
#map1 = affine_map<(d0, d1) -> (0, 0, 0)>
module attributes {stable_mosaic.version = 14 : i64} {
  func.func @gather_kernel(%arg0: i32, %arg1: i32, %arg2: memref<50x4096xi32, #tpu.memory_space<hbm>>, %arg3: memref<100000x128xf32, #tpu.memory_space<hbm>>, %arg4: memref<50x4096x128xf32, #tpu.memory_space<hbm>>, %arg5: memref<50x128xi32, #tpu.memory_space<vmem>>, %arg6: memref<64x128xf32, #tpu.memory_space<vmem>>, %arg7: memref<64x128xf32, #tpu.memory_space<vmem>>, %arg8: memref<64x128xf32, #tpu.memory_space<vmem>>, %arg9: memref<64x128xf32, #tpu.memory_space<vmem>>, %arg10: memref<64x128xf32, #tpu.memory_space<vmem>>, %arg11: memref<64x128xf32, #tpu.memory_space<vmem>>, %arg12: memref<64x128xf32, #tpu.memory_space<vmem>>, %arg13: memref<64x128xf32, #tpu.memory_space<vmem>>, %arg14: memref<64x128xf32, #tpu.memory_space<vmem>>, %arg15: memref<64x128xf32, #tpu.memory_space<vmem>>, %arg16: memref<!tpu.dma_semaphore, #tpu.memory_space<semaphore_mem>>, %arg17: memref<!tpu.dma_semaphore, #tpu.memory_space<semaphore_mem>>, %arg18: memref<!tpu.dma_semaphore, #tpu.memory_space<semaphore_mem>>, %arg19: memref<!tpu.dma_semaphore, #tpu.memory_space<semaphore_mem>>, %arg20: memref<!tpu.dma_semaphore, #tpu.memory_space<semaphore_mem>>, %arg21: memref<!tpu.dma_semaphore, #tpu.memory_space<semaphore_mem>>, %arg22: memref<!tpu.dma_semaphore, #tpu.memory_space<semaphore_mem>>, %arg23: memref<!tpu.dma_semaphore, #tpu.memory_space<semaphore_mem>>, %arg24: memref<!tpu.dma_semaphore, #tpu.memory_space<semaphore_mem>>, %arg25: memref<!tpu.dma_semaphore, #tpu.memory_space<semaphore_mem>>, %arg26: memref<!tpu.dma_semaphore, #tpu.memory_space<semaphore_mem>>, %arg27: memref<!tpu.dma_semaphore, #tpu.memory_space<semaphore_mem>>, %arg28: memref<!tpu.dma_semaphore, #tpu.memory_space<semaphore_mem>>, %arg29: memref<!tpu.dma_semaphore, #tpu.memory_space<semaphore_mem>>, %arg30: memref<!tpu.dma_semaphore, #tpu.memory_space<semaphore_mem>>, %arg31: memref<!tpu.dma_semaphore, #tpu.memory_space<semaphore_mem>>, %arg32: memref<!tpu.dma_semaphore, #tpu.memory_space<semaphore_mem>>, %arg33: memref<!tpu.dma_semaphore, #tpu.memory_space<semaphore_mem>>, %arg34: memref<!tpu.dma_semaphore, #tpu.memory_space<semaphore_mem>>, %arg35: memref<!tpu.dma_semaphore, #tpu.memory_space<semaphore_mem>>) attributes {dimension_semantics = [#tpu.dimension_semantics<core_parallel>, #tpu.dimension_semantics<subcore_parallel>], iteration_bounds = array<i64: 2, 16>, scalar_prefetch = 0 : i64, scratch_operands = 31 : i64, tpu.core_type = #tpu.core_type<sc_vector_subcore>, window_params = [{transform_indices = #map}, {transform_indices = #map}, {transform_indices = #map1}]} {
    %mul3A = arith.constant 2 : i32
    %mul3A_0 = arith.muli %arg1, %mul3A : i32
    %add3A = arith.addi %mul3A_0, %arg0 : i32
    %mul3A_1 = arith.constant 128 : i32
    %mul3A_2 = arith.muli %add3A, %mul3A_1 : i32
    "tpu.region"() ({
      %run_scoped3A = tpu.sem_alloc : memref<!tpu.dma_semaphore, #tpu.memory_space<semaphore_mem>>
      %dma_start3A_166 = arith.constant 0 : i32
      %dma_start3A_167 = tpu.memref_slice %arg2[%dma_start3A_166, %mul3A_2] : memref<50x4096xi32, #tpu.memory_space<hbm>> -> memref<50x128xi32, #tpu.memory_space<hbm>>
      %dma_start3A_168 = arith.constant 0 : i32
      %dma_start3A_169 = tpu.memref_slice %arg2[%dma_start3A_168, %mul3A_2] : memref<50x4096xi32, #tpu.memory_space<hbm>> -> memref<50x128xi32, #tpu.memory_space<hbm>>
      tpu.enqueue_dma source(%dma_start3A_169 : memref<50x128xi32, #tpu.memory_space<hbm>>) target(%arg5 : memref<50x128xi32, #tpu.memory_space<vmem>>) target_semaphore(%run_scoped3A : memref<!tpu.dma_semaphore, #tpu.memory_space<semaphore_mem>>)
      %dma_wait3A_170 = arith.constant 0 : i32
      %dma_wait3A_171 = tpu.memref_slice %arg2[%dma_wait3A_170, %mul3A_2] : memref<50x4096xi32, #tpu.memory_space<hbm>> -> memref<50x128xi32, #tpu.memory_space<hbm>>
      %dma_wait3A_172 = arith.constant 0 : i32
      %dma_wait3A_173 = tpu.memref_slice %arg2[%dma_wait3A_172, %mul3A_2] : memref<50x4096xi32, #tpu.memory_space<hbm>> -> memref<50x128xi32, #tpu.memory_space<hbm>>
      tpu.wait_dma2 semaphore(%run_scoped3A : memref<!tpu.dma_semaphore, #tpu.memory_space<semaphore_mem>>) src(%dma_wait3A_173 : memref<50x128xi32, #tpu.memory_space<hbm>>) dst(%arg5 : memref<50x128xi32, #tpu.memory_space<vmem>>)
      tpu.yield
    }) : () -> ()
    %dma_start3A = arith.constant 0 : i32
    %dma_start3A_3 = arith.constant 0 : i32
    %dma_start3A_4 = tpu.memref_slice %arg5[%dma_start3A, %dma_start3A_3] : memref<50x128xi32, #tpu.memory_space<vmem>> -> memref<1x64xi32, #tpu.memory_space<vmem>>
    %dma_start3A_5 = tpu.memref_squeeze %dma_start3A_4 : memref<1x64xi32, #tpu.memory_space<vmem>> -> memref<64xi32, #tpu.memory_space<vmem>>
    %dma_start3A_6 = arith.constant 0 : i32
    %dma_start3A_7 = arith.constant 0 : i32
    %dma_start3A_8 = tpu.memref_slice %arg3[%dma_start3A_6, %dma_start3A_7] : memref<100000x128xf32, #tpu.memory_space<hbm>> -> memref<100000x128xf32, #tpu.memory_space<hbm>>
    tpu.enqueue_indirect_dma source(%dma_start3A_8 : memref<100000x128xf32, #tpu.memory_space<hbm>>) target(%arg6 : memref<64x128xf32, #tpu.memory_space<vmem>>) offsets(%dma_start3A_5 : memref<64xi32, #tpu.memory_space<vmem>>) semaphore(%arg16 : memref<!tpu.dma_semaphore, #tpu.memory_space<semaphore_mem>>)
    %dma_start3A_9 = arith.constant 1 : i32
    %dma_start3A_10 = arith.constant 0 : i32
    %dma_start3A_11 = tpu.memref_slice %arg5[%dma_start3A_9, %dma_start3A_10] : memref<50x128xi32, #tpu.memory_space<vmem>> -> memref<1x64xi32, #tpu.memory_space<vmem>>
    %dma_start3A_12 = tpu.memref_squeeze %dma_start3A_11 : memref<1x64xi32, #tpu.memory_space<vmem>> -> memref<64xi32, #tpu.memory_space<vmem>>
    %dma_start3A_13 = arith.constant 0 : i32
    %dma_start3A_14 = arith.constant 0 : i32
    %dma_start3A_15 = tpu.memref_slice %arg3[%dma_start3A_13, %dma_start3A_14] : memref<100000x128xf32, #tpu.memory_space<hbm>> -> memref<100000x128xf32, #tpu.memory_space<hbm>>
    tpu.enqueue_indirect_dma source(%dma_start3A_15 : memref<100000x128xf32, #tpu.memory_space<hbm>>) target(%arg7 : memref<64x128xf32, #tpu.memory_space<vmem>>) offsets(%dma_start3A_12 : memref<64xi32, #tpu.memory_space<vmem>>) semaphore(%arg17 : memref<!tpu.dma_semaphore, #tpu.memory_space<semaphore_mem>>)
    %dma_start3A_16 = arith.constant 2 : i32
    %dma_start3A_17 = arith.constant 0 : i32
    %dma_start3A_18 = tpu.memref_slice %arg5[%dma_start3A_16, %dma_start3A_17] : memref<50x128xi32, #tpu.memory_space<vmem>> -> memref<1x64xi32, #tpu.memory_space<vmem>>
    %dma_start3A_19 = tpu.memref_squeeze %dma_start3A_18 : memref<1x64xi32, #tpu.memory_space<vmem>> -> memref<64xi32, #tpu.memory_space<vmem>>
    %dma_start3A_20 = arith.constant 0 : i32
    %dma_start3A_21 = arith.constant 0 : i32
    %dma_start3A_22 = tpu.memref_slice %arg3[%dma_start3A_20, %dma_start3A_21] : memref<100000x128xf32, #tpu.memory_space<hbm>> -> memref<100000x128xf32, #tpu.memory_space<hbm>>
    tpu.enqueue_indirect_dma source(%dma_start3A_22 : memref<100000x128xf32, #tpu.memory_space<hbm>>) target(%arg8 : memref<64x128xf32, #tpu.memory_space<vmem>>) offsets(%dma_start3A_19 : memref<64xi32, #tpu.memory_space<vmem>>) semaphore(%arg18 : memref<!tpu.dma_semaphore, #tpu.memory_space<semaphore_mem>>)
    %dma_start3A_23 = arith.constant 3 : i32
    %dma_start3A_24 = arith.constant 0 : i32
    %dma_start3A_25 = tpu.memref_slice %arg5[%dma_start3A_23, %dma_start3A_24] : memref<50x128xi32, #tpu.memory_space<vmem>> -> memref<1x64xi32, #tpu.memory_space<vmem>>
    %dma_start3A_26 = tpu.memref_squeeze %dma_start3A_25 : memref<1x64xi32, #tpu.memory_space<vmem>> -> memref<64xi32, #tpu.memory_space<vmem>>
    %dma_start3A_27 = arith.constant 0 : i32
    %dma_start3A_28 = arith.constant 0 : i32
    %dma_start3A_29 = tpu.memref_slice %arg3[%dma_start3A_27, %dma_start3A_28] : memref<100000x128xf32, #tpu.memory_space<hbm>> -> memref<100000x128xf32, #tpu.memory_space<hbm>>
    tpu.enqueue_indirect_dma source(%dma_start3A_29 : memref<100000x128xf32, #tpu.memory_space<hbm>>) target(%arg9 : memref<64x128xf32, #tpu.memory_space<vmem>>) offsets(%dma_start3A_26 : memref<64xi32, #tpu.memory_space<vmem>>) semaphore(%arg19 : memref<!tpu.dma_semaphore, #tpu.memory_space<semaphore_mem>>)
    %dma_start3A_30 = arith.constant 4 : i32
    %dma_start3A_31 = arith.constant 0 : i32
    %dma_start3A_32 = tpu.memref_slice %arg5[%dma_start3A_30, %dma_start3A_31] : memref<50x128xi32, #tpu.memory_space<vmem>> -> memref<1x64xi32, #tpu.memory_space<vmem>>
    %dma_start3A_33 = tpu.memref_squeeze %dma_start3A_32 : memref<1x64xi32, #tpu.memory_space<vmem>> -> memref<64xi32, #tpu.memory_space<vmem>>
    %dma_start3A_34 = arith.constant 0 : i32
    %dma_start3A_35 = arith.constant 0 : i32
    %dma_start3A_36 = tpu.memref_slice %arg3[%dma_start3A_34, %dma_start3A_35] : memref<100000x128xf32, #tpu.memory_space<hbm>> -> memref<100000x128xf32, #tpu.memory_space<hbm>>
    tpu.enqueue_indirect_dma source(%dma_start3A_36 : memref<100000x128xf32, #tpu.memory_space<hbm>>) target(%arg10 : memref<64x128xf32, #tpu.memory_space<vmem>>) offsets(%dma_start3A_33 : memref<64xi32, #tpu.memory_space<vmem>>) semaphore(%arg20 : memref<!tpu.dma_semaphore, #tpu.memory_space<semaphore_mem>>)
    %dma_start3A_37 = arith.constant 5 : i32
    %dma_start3A_38 = arith.constant 0 : i32
    %dma_start3A_39 = tpu.memref_slice %arg5[%dma_start3A_37, %dma_start3A_38] : memref<50x128xi32, #tpu.memory_space<vmem>> -> memref<1x64xi32, #tpu.memory_space<vmem>>
    %dma_start3A_40 = tpu.memref_squeeze %dma_start3A_39 : memref<1x64xi32, #tpu.memory_space<vmem>> -> memref<64xi32, #tpu.memory_space<vmem>>
    %dma_start3A_41 = arith.constant 0 : i32
    %dma_start3A_42 = arith.constant 0 : i32
    %dma_start3A_43 = tpu.memref_slice %arg3[%dma_start3A_41, %dma_start3A_42] : memref<100000x128xf32, #tpu.memory_space<hbm>> -> memref<100000x128xf32, #tpu.memory_space<hbm>>
    tpu.enqueue_indirect_dma source(%dma_start3A_43 : memref<100000x128xf32, #tpu.memory_space<hbm>>) target(%arg11 : memref<64x128xf32, #tpu.memory_space<vmem>>) offsets(%dma_start3A_40 : memref<64xi32, #tpu.memory_space<vmem>>) semaphore(%arg21 : memref<!tpu.dma_semaphore, #tpu.memory_space<semaphore_mem>>)
    %dma_start3A_44 = arith.constant 6 : i32
    %dma_start3A_45 = arith.constant 0 : i32
    %dma_start3A_46 = tpu.memref_slice %arg5[%dma_start3A_44, %dma_start3A_45] : memref<50x128xi32, #tpu.memory_space<vmem>> -> memref<1x64xi32, #tpu.memory_space<vmem>>
    %dma_start3A_47 = tpu.memref_squeeze %dma_start3A_46 : memref<1x64xi32, #tpu.memory_space<vmem>> -> memref<64xi32, #tpu.memory_space<vmem>>
    %dma_start3A_48 = arith.constant 0 : i32
    %dma_start3A_49 = arith.constant 0 : i32
    %dma_start3A_50 = tpu.memref_slice %arg3[%dma_start3A_48, %dma_start3A_49] : memref<100000x128xf32, #tpu.memory_space<hbm>> -> memref<100000x128xf32, #tpu.memory_space<hbm>>
    tpu.enqueue_indirect_dma source(%dma_start3A_50 : memref<100000x128xf32, #tpu.memory_space<hbm>>) target(%arg12 : memref<64x128xf32, #tpu.memory_space<vmem>>) offsets(%dma_start3A_47 : memref<64xi32, #tpu.memory_space<vmem>>) semaphore(%arg22 : memref<!tpu.dma_semaphore, #tpu.memory_space<semaphore_mem>>)
    %dma_start3A_51 = arith.constant 7 : i32
    %dma_start3A_52 = arith.constant 0 : i32
    %dma_start3A_53 = tpu.memref_slice %arg5[%dma_start3A_51, %dma_start3A_52] : memref<50x128xi32, #tpu.memory_space<vmem>> -> memref<1x64xi32, #tpu.memory_space<vmem>>
    %dma_start3A_54 = tpu.memref_squeeze %dma_start3A_53 : memref<1x64xi32, #tpu.memory_space<vmem>> -> memref<64xi32, #tpu.memory_space<vmem>>
    %dma_start3A_55 = arith.constant 0 : i32
    %dma_start3A_56 = arith.constant 0 : i32
    %dma_start3A_57 = tpu.memref_slice %arg3[%dma_start3A_55, %dma_start3A_56] : memref<100000x128xf32, #tpu.memory_space<hbm>> -> memref<100000x128xf32, #tpu.memory_space<hbm>>
    tpu.enqueue_indirect_dma source(%dma_start3A_57 : memref<100000x128xf32, #tpu.memory_space<hbm>>) target(%arg13 : memref<64x128xf32, #tpu.memory_space<vmem>>) offsets(%dma_start3A_54 : memref<64xi32, #tpu.memory_space<vmem>>) semaphore(%arg23 : memref<!tpu.dma_semaphore, #tpu.memory_space<semaphore_mem>>)
    %dma_start3A_58 = arith.constant 8 : i32
    %dma_start3A_59 = arith.constant 0 : i32
    %dma_start3A_60 = tpu.memref_slice %arg5[%dma_start3A_58, %dma_start3A_59] : memref<50x128xi32, #tpu.memory_space<vmem>> -> memref<1x64xi32, #tpu.memory_space<vmem>>
    %dma_start3A_61 = tpu.memref_squeeze %dma_start3A_60 : memref<1x64xi32, #tpu.memory_space<vmem>> -> memref<64xi32, #tpu.memory_space<vmem>>
    %dma_start3A_62 = arith.constant 0 : i32
    %dma_start3A_63 = arith.constant 0 : i32
    %dma_start3A_64 = tpu.memref_slice %arg3[%dma_start3A_62, %dma_start3A_63] : memref<100000x128xf32, #tpu.memory_space<hbm>> -> memref<100000x128xf32, #tpu.memory_space<hbm>>
    tpu.enqueue_indirect_dma source(%dma_start3A_64 : memref<100000x128xf32, #tpu.memory_space<hbm>>) target(%arg14 : memref<64x128xf32, #tpu.memory_space<vmem>>) offsets(%dma_start3A_61 : memref<64xi32, #tpu.memory_space<vmem>>) semaphore(%arg24 : memref<!tpu.dma_semaphore, #tpu.memory_space<semaphore_mem>>)
    %dma_start3A_65 = arith.constant 9 : i32
    %dma_start3A_66 = arith.constant 0 : i32
    %dma_start3A_67 = tpu.memref_slice %arg5[%dma_start3A_65, %dma_start3A_66] : memref<50x128xi32, #tpu.memory_space<vmem>> -> memref<1x64xi32, #tpu.memory_space<vmem>>
    %dma_start3A_68 = tpu.memref_squeeze %dma_start3A_67 : memref<1x64xi32, #tpu.memory_space<vmem>> -> memref<64xi32, #tpu.memory_space<vmem>>
    %dma_start3A_69 = arith.constant 0 : i32
    %dma_start3A_70 = arith.constant 0 : i32
    %dma_start3A_71 = tpu.memref_slice %arg3[%dma_start3A_69, %dma_start3A_70] : memref<100000x128xf32, #tpu.memory_space<hbm>> -> memref<100000x128xf32, #tpu.memory_space<hbm>>
    tpu.enqueue_indirect_dma source(%dma_start3A_71 : memref<100000x128xf32, #tpu.memory_space<hbm>>) target(%arg15 : memref<64x128xf32, #tpu.memory_space<vmem>>) offsets(%dma_start3A_68 : memref<64xi32, #tpu.memory_space<vmem>>) semaphore(%arg25 : memref<!tpu.dma_semaphore, #tpu.memory_space<semaphore_mem>>)
    %scan3A = arith.constant 0 : i32
    %scan3A_72 = arith.constant 0 : i32
    %scan3A_73 = arith.constant 10 : i32
    %scan3A_74 = arith.addi %scan3A_72, %scan3A_73 : i32
    %scan3A_75 = arith.constant 1 : i32
    scf.for %scan3A_166 = %scan3A_72 to %scan3A_74 step %scan3A_75  : i32 {
      %mul3A_167 = arith.constant 10 : i32
      %mul3A_168 = arith.muli %scan3A_166, %mul3A_167 : i32
      %add3A_169 = arith.constant 0 : i32
      %add3A_170 = arith.addi %mul3A_168, %add3A_169 : i32
      %jit3A = arith.constant 50 : i32
      %eq3A = arith.constant 0 : i32
      %eq3A_171 = arith.cmpi eq, %jit3A, %eq3A : i32
      %jit3A_172 = arith.constant 1 : i32
      %select_n3A = arith.select %eq3A_171, %jit3A_172, %jit3A : i32
      %rem3A = arith.remsi %add3A_170, %select_n3A : i32
      %ne3A = arith.constant 0 : i32
      %ne3A_173 = arith.cmpi ne, %rem3A, %ne3A : i32
      %lt3A = arith.constant 0 : i32
      %lt3A_174 = arith.cmpi slt, %rem3A, %lt3A : i32
      %lt3A_175 = arith.constant 0 : i32
      %lt3A_176 = arith.cmpi slt, %select_n3A, %lt3A_175 : i32
      %ne3A_177 = arith.xori %lt3A_174, %lt3A_176 : i1
      %and3A = arith.andi %ne3A_177, %ne3A_173 : i1
      %add3A_178 = arith.addi %rem3A, %select_n3A : i32
      %select_n3A_179 = arith.select %and3A, %add3A_178, %rem3A : i32
      %jit3A_180 = arith.constant 50 : i32
      %div3A = arith.divsi %add3A_170, %jit3A_180 : i32
      %sign3A = arith.constant 0 : i32
      %sign3A_181 = arith.cmpi sgt, %add3A_170, %sign3A : i32
      %sign3A_182 = arith.extui %sign3A_181 : i1 to i32
      %sign3A_183 = arith.constant 0 : i32
      %sign3A_184 = arith.cmpi slt, %add3A_170, %sign3A_183 : i32
      %sign3A_185 = arith.extui %sign3A_184 : i1 to i32
      %sign3A_186 = arith.subi %sign3A_182, %sign3A_185 : i32
      %sign3A_187 = arith.constant 0 : i32
      %sign3A_188 = arith.cmpi sgt, %jit3A_180, %sign3A_187 : i32
      %sign3A_189 = arith.extui %sign3A_188 : i1 to i32
      %sign3A_190 = arith.constant 0 : i32
      %sign3A_191 = arith.cmpi slt, %jit3A_180, %sign3A_190 : i32
      %sign3A_192 = arith.extui %sign3A_191 : i1 to i32
      %sign3A_193 = arith.subi %sign3A_189, %sign3A_192 : i32
      %ne3A_194 = arith.cmpi ne, %sign3A_186, %sign3A_193 : i32
      %rem3A_195 = arith.remsi %add3A_170, %jit3A_180 : i32
      %ne3A_196 = arith.constant 0 : i32
      %ne3A_197 = arith.cmpi ne, %rem3A_195, %ne3A_196 : i32
      %and3A_198 = arith.andi %ne3A_194, %ne3A_197 : i1
      %sub3A = arith.constant 1 : i32
      %sub3A_199 = arith.subi %div3A, %sub3A : i32
      %select_n3A_200 = arith.select %and3A_198, %sub3A_199, %div3A : i32
      %mul3A_201 = arith.constant 64 : i32
      %mul3A_202 = arith.muli %select_n3A_200, %mul3A_201 : i32
      %dma_wait3A_203 = tpu.memref_slice %arg5[%select_n3A_179, %mul3A_202] : memref<50x128xi32, #tpu.memory_space<vmem>> -> memref<1x64xi32, #tpu.memory_space<vmem>>
      %dma_wait3A_204 = tpu.memref_squeeze %dma_wait3A_203 : memref<1x64xi32, #tpu.memory_space<vmem>> -> memref<64xi32, #tpu.memory_space<vmem>>
      %dma_wait3A_205 = arith.constant 0 : i32
      %dma_wait3A_206 = arith.constant 0 : i32
      %dma_wait3A_207 = tpu.memref_slice %arg3[%dma_wait3A_205, %dma_wait3A_206] : memref<100000x128xf32, #tpu.memory_space<hbm>> -> memref<100000x128xf32, #tpu.memory_space<hbm>>
      tpu.wait_indirect_dma semaphore(%arg16 : memref<!tpu.dma_semaphore, #tpu.memory_space<semaphore_mem>>) src(%dma_wait3A_207 : memref<100000x128xf32, #tpu.memory_space<hbm>>) dst(%arg6 : memref<64x128xf32, #tpu.memory_space<vmem>>)
      %add3A_208 = arith.constant 0 : i32
      %add3A_209 = arith.addi %mul3A_168, %add3A_208 : i32
      %jit3A_210 = arith.constant 50 : i32
      %eq3A_211 = arith.constant 0 : i32
      %eq3A_212 = arith.cmpi eq, %jit3A_210, %eq3A_211 : i32
      %jit3A_213 = arith.constant 1 : i32
      %select_n3A_214 = arith.select %eq3A_212, %jit3A_213, %jit3A_210 : i32
      %rem3A_215 = arith.remsi %add3A_209, %select_n3A_214 : i32
      %ne3A_216 = arith.constant 0 : i32
      %ne3A_217 = arith.cmpi ne, %rem3A_215, %ne3A_216 : i32
      %lt3A_218 = arith.constant 0 : i32
      %lt3A_219 = arith.cmpi slt, %rem3A_215, %lt3A_218 : i32
      %lt3A_220 = arith.constant 0 : i32
      %lt3A_221 = arith.cmpi slt, %select_n3A_214, %lt3A_220 : i32
      %ne3A_222 = arith.xori %lt3A_219, %lt3A_221 : i1
      %and3A_223 = arith.andi %ne3A_222, %ne3A_217 : i1
      %add3A_224 = arith.addi %rem3A_215, %select_n3A_214 : i32
      %select_n3A_225 = arith.select %and3A_223, %add3A_224, %rem3A_215 : i32
      %jit3A_226 = arith.constant 50 : i32
      %div3A_227 = arith.divsi %add3A_209, %jit3A_226 : i32
      %sign3A_228 = arith.constant 0 : i32
      %sign3A_229 = arith.cmpi sgt, %add3A_209, %sign3A_228 : i32
      %sign3A_230 = arith.extui %sign3A_229 : i1 to i32
      %sign3A_231 = arith.constant 0 : i32
      %sign3A_232 = arith.cmpi slt, %add3A_209, %sign3A_231 : i32
      %sign3A_233 = arith.extui %sign3A_232 : i1 to i32
      %sign3A_234 = arith.subi %sign3A_230, %sign3A_233 : i32
      %sign3A_235 = arith.constant 0 : i32
      %sign3A_236 = arith.cmpi sgt, %jit3A_226, %sign3A_235 : i32
      %sign3A_237 = arith.extui %sign3A_236 : i1 to i32
      %sign3A_238 = arith.constant 0 : i32
      %sign3A_239 = arith.cmpi slt, %jit3A_226, %sign3A_238 : i32
      %sign3A_240 = arith.extui %sign3A_239 : i1 to i32
      %sign3A_241 = arith.subi %sign3A_237, %sign3A_240 : i32
      %ne3A_242 = arith.cmpi ne, %sign3A_234, %sign3A_241 : i32
      %rem3A_243 = arith.remsi %add3A_209, %jit3A_226 : i32
      %ne3A_244 = arith.constant 0 : i32
      %ne3A_245 = arith.cmpi ne, %rem3A_243, %ne3A_244 : i32
      %and3A_246 = arith.andi %ne3A_242, %ne3A_245 : i1
      %sub3A_247 = arith.constant 1 : i32
      %sub3A_248 = arith.subi %div3A_227, %sub3A_247 : i32
      %select_n3A_249 = arith.select %and3A_246, %sub3A_248, %div3A_227 : i32
      %mul3A_250 = arith.constant 64 : i32
      %mul3A_251 = arith.muli %select_n3A_249, %mul3A_250 : i32
      %add3A_252 = arith.addi %mul3A_2, %mul3A_251 : i32
      %dma_start3A_253 = arith.constant 0 : i32
      %dma_start3A_254 = tpu.memref_slice %arg4[%select_n3A_225, %add3A_252, %dma_start3A_253] : memref<50x4096x128xf32, #tpu.memory_space<hbm>> -> memref<1x64x128xf32, #tpu.memory_space<hbm>>
      %dma_start3A_255 = tpu.memref_squeeze %dma_start3A_254 : memref<1x64x128xf32, #tpu.memory_space<hbm>> -> memref<64x128xf32, #tpu.memory_space<hbm>>
      %dma_start3A_256 = arith.constant 0 : i32
      %dma_start3A_257 = tpu.memref_slice %arg4[%select_n3A_225, %add3A_252, %dma_start3A_256] : memref<50x4096x128xf32, #tpu.memory_space<hbm>> -> memref<1x64x128xf32, #tpu.memory_space<hbm>>
      %dma_start3A_258 = tpu.memref_squeeze %dma_start3A_257 : memref<1x64x128xf32, #tpu.memory_space<hbm>> -> memref<64x128xf32, #tpu.memory_space<hbm>>
      tpu.enqueue_dma source(%arg6 : memref<64x128xf32, #tpu.memory_space<vmem>>) target(%dma_start3A_258 : memref<64x128xf32, #tpu.memory_space<hbm>>) target_semaphore(%arg26 : memref<!tpu.dma_semaphore, #tpu.memory_space<semaphore_mem>>)
      %add3A_259 = arith.constant 1 : i32
      %add3A_260 = arith.addi %mul3A_168, %add3A_259 : i32
      %jit3A_261 = arith.constant 50 : i32
      %eq3A_262 = arith.constant 0 : i32
      %eq3A_263 = arith.cmpi eq, %jit3A_261, %eq3A_262 : i32
      %jit3A_264 = arith.constant 1 : i32
      %select_n3A_265 = arith.select %eq3A_263, %jit3A_264, %jit3A_261 : i32
      %rem3A_266 = arith.remsi %add3A_260, %select_n3A_265 : i32
      %ne3A_267 = arith.constant 0 : i32
      %ne3A_268 = arith.cmpi ne, %rem3A_266, %ne3A_267 : i32
      %lt3A_269 = arith.constant 0 : i32
      %lt3A_270 = arith.cmpi slt, %rem3A_266, %lt3A_269 : i32
      %lt3A_271 = arith.constant 0 : i32
      %lt3A_272 = arith.cmpi slt, %select_n3A_265, %lt3A_271 : i32
      %ne3A_273 = arith.xori %lt3A_270, %lt3A_272 : i1
      %and3A_274 = arith.andi %ne3A_273, %ne3A_268 : i1
      %add3A_275 = arith.addi %rem3A_266, %select_n3A_265 : i32
      %select_n3A_276 = arith.select %and3A_274, %add3A_275, %rem3A_266 : i32
      %jit3A_277 = arith.constant 50 : i32
      %div3A_278 = arith.divsi %add3A_260, %jit3A_277 : i32
      %sign3A_279 = arith.constant 0 : i32
      %sign3A_280 = arith.cmpi sgt, %add3A_260, %sign3A_279 : i32
      %sign3A_281 = arith.extui %sign3A_280 : i1 to i32
      %sign3A_282 = arith.constant 0 : i32
      %sign3A_283 = arith.cmpi slt, %add3A_260, %sign3A_282 : i32
      %sign3A_284 = arith.extui %sign3A_283 : i1 to i32
      %sign3A_285 = arith.subi %sign3A_281, %sign3A_284 : i32
      %sign3A_286 = arith.constant 0 : i32
      %sign3A_287 = arith.cmpi sgt, %jit3A_277, %sign3A_286 : i32
      %sign3A_288 = arith.extui %sign3A_287 : i1 to i32
      %sign3A_289 = arith.constant 0 : i32
      %sign3A_290 = arith.cmpi slt, %jit3A_277, %sign3A_289 : i32
      %sign3A_291 = arith.extui %sign3A_290 : i1 to i32
      %sign3A_292 = arith.subi %sign3A_288, %sign3A_291 : i32
      %ne3A_293 = arith.cmpi ne, %sign3A_285, %sign3A_292 : i32
      %rem3A_294 = arith.remsi %add3A_260, %jit3A_277 : i32
      %ne3A_295 = arith.constant 0 : i32
      %ne3A_296 = arith.cmpi ne, %rem3A_294, %ne3A_295 : i32
      %and3A_297 = arith.andi %ne3A_293, %ne3A_296 : i1
      %sub3A_298 = arith.constant 1 : i32
      %sub3A_299 = arith.subi %div3A_278, %sub3A_298 : i32
      %select_n3A_300 = arith.select %and3A_297, %sub3A_299, %div3A_278 : i32
      %mul3A_301 = arith.constant 64 : i32
      %mul3A_302 = arith.muli %select_n3A_300, %mul3A_301 : i32
      %dma_wait3A_303 = tpu.memref_slice %arg5[%select_n3A_276, %mul3A_302] : memref<50x128xi32, #tpu.memory_space<vmem>> -> memref<1x64xi32, #tpu.memory_space<vmem>>
      %dma_wait3A_304 = tpu.memref_squeeze %dma_wait3A_303 : memref<1x64xi32, #tpu.memory_space<vmem>> -> memref<64xi32, #tpu.memory_space<vmem>>
      %dma_wait3A_305 = arith.constant 0 : i32
      %dma_wait3A_306 = arith.constant 0 : i32
      %dma_wait3A_307 = tpu.memref_slice %arg3[%dma_wait3A_305, %dma_wait3A_306] : memref<100000x128xf32, #tpu.memory_space<hbm>> -> memref<100000x128xf32, #tpu.memory_space<hbm>>
      tpu.wait_indirect_dma semaphore(%arg17 : memref<!tpu.dma_semaphore, #tpu.memory_space<semaphore_mem>>) src(%dma_wait3A_307 : memref<100000x128xf32, #tpu.memory_space<hbm>>) dst(%arg7 : memref<64x128xf32, #tpu.memory_space<vmem>>)
      %add3A_308 = arith.constant 1 : i32
      %add3A_309 = arith.addi %mul3A_168, %add3A_308 : i32
      %jit3A_310 = arith.constant 50 : i32
      %eq3A_311 = arith.constant 0 : i32
      %eq3A_312 = arith.cmpi eq, %jit3A_310, %eq3A_311 : i32
      %jit3A_313 = arith.constant 1 : i32
      %select_n3A_314 = arith.select %eq3A_312, %jit3A_313, %jit3A_310 : i32
      %rem3A_315 = arith.remsi %add3A_309, %select_n3A_314 : i32
      %ne3A_316 = arith.constant 0 : i32
      %ne3A_317 = arith.cmpi ne, %rem3A_315, %ne3A_316 : i32
      %lt3A_318 = arith.constant 0 : i32
      %lt3A_319 = arith.cmpi slt, %rem3A_315, %lt3A_318 : i32
      %lt3A_320 = arith.constant 0 : i32
      %lt3A_321 = arith.cmpi slt, %select_n3A_314, %lt3A_320 : i32
      %ne3A_322 = arith.xori %lt3A_319, %lt3A_321 : i1
      %and3A_323 = arith.andi %ne3A_322, %ne3A_317 : i1
      %add3A_324 = arith.addi %rem3A_315, %select_n3A_314 : i32
      %select_n3A_325 = arith.select %and3A_323, %add3A_324, %rem3A_315 : i32
      %jit3A_326 = arith.constant 50 : i32
      %div3A_327 = arith.divsi %add3A_309, %jit3A_326 : i32
      %sign3A_328 = arith.constant 0 : i32
      %sign3A_329 = arith.cmpi sgt, %add3A_309, %sign3A_328 : i32
      %sign3A_330 = arith.extui %sign3A_329 : i1 to i32
      %sign3A_331 = arith.constant 0 : i32
      %sign3A_332 = arith.cmpi slt, %add3A_309, %sign3A_331 : i32
      %sign3A_333 = arith.extui %sign3A_332 : i1 to i32
      %sign3A_334 = arith.subi %sign3A_330, %sign3A_333 : i32
      %sign3A_335 = arith.constant 0 : i32
      %sign3A_336 = arith.cmpi sgt, %jit3A_326, %sign3A_335 : i32
      %sign3A_337 = arith.extui %sign3A_336 : i1 to i32
      %sign3A_338 = arith.constant 0 : i32
      %sign3A_339 = arith.cmpi slt, %jit3A_326, %sign3A_338 : i32
      %sign3A_340 = arith.extui %sign3A_339 : i1 to i32
      %sign3A_341 = arith.subi %sign3A_337, %sign3A_340 : i32
      %ne3A_342 = arith.cmpi ne, %sign3A_334, %sign3A_341 : i32
      %rem3A_343 = arith.remsi %add3A_309, %jit3A_326 : i32
      %ne3A_344 = arith.constant 0 : i32
      %ne3A_345 = arith.cmpi ne, %rem3A_343, %ne3A_344 : i32
      %and3A_346 = arith.andi %ne3A_342, %ne3A_345 : i1
      %sub3A_347 = arith.constant 1 : i32
      %sub3A_348 = arith.subi %div3A_327, %sub3A_347 : i32
      %select_n3A_349 = arith.select %and3A_346, %sub3A_348, %div3A_327 : i32
      %mul3A_350 = arith.constant 64 : i32
      %mul3A_351 = arith.muli %select_n3A_349, %mul3A_350 : i32
      %add3A_352 = arith.addi %mul3A_2, %mul3A_351 : i32
      %dma_start3A_353 = arith.constant 0 : i32
      %dma_start3A_354 = tpu.memref_slice %arg4[%select_n3A_325, %add3A_352, %dma_start3A_353] : memref<50x4096x128xf32, #tpu.memory_space<hbm>> -> memref<1x64x128xf32, #tpu.memory_space<hbm>>
      %dma_start3A_355 = tpu.memref_squeeze %dma_start3A_354 : memref<1x64x128xf32, #tpu.memory_space<hbm>> -> memref<64x128xf32, #tpu.memory_space<hbm>>
      %dma_start3A_356 = arith.constant 0 : i32
      %dma_start3A_357 = tpu.memref_slice %arg4[%select_n3A_325, %add3A_352, %dma_start3A_356] : memref<50x4096x128xf32, #tpu.memory_space<hbm>> -> memref<1x64x128xf32, #tpu.memory_space<hbm>>
      %dma_start3A_358 = tpu.memref_squeeze %dma_start3A_357 : memref<1x64x128xf32, #tpu.memory_space<hbm>> -> memref<64x128xf32, #tpu.memory_space<hbm>>
      tpu.enqueue_dma source(%arg7 : memref<64x128xf32, #tpu.memory_space<vmem>>) target(%dma_start3A_358 : memref<64x128xf32, #tpu.memory_space<hbm>>) target_semaphore(%arg27 : memref<!tpu.dma_semaphore, #tpu.memory_space<semaphore_mem>>)
      %add3A_359 = arith.constant 2 : i32
      %add3A_360 = arith.addi %mul3A_168, %add3A_359 : i32
      %jit3A_361 = arith.constant 50 : i32
      %eq3A_362 = arith.constant 0 : i32
      %eq3A_363 = arith.cmpi eq, %jit3A_361, %eq3A_362 : i32
      %jit3A_364 = arith.constant 1 : i32
      %select_n3A_365 = arith.select %eq3A_363, %jit3A_364, %jit3A_361 : i32
      %rem3A_366 = arith.remsi %add3A_360, %select_n3A_365 : i32
      %ne3A_367 = arith.constant 0 : i32
      %ne3A_368 = arith.cmpi ne, %rem3A_366, %ne3A_367 : i32
      %lt3A_369 = arith.constant 0 : i32
      %lt3A_370 = arith.cmpi slt, %rem3A_366, %lt3A_369 : i32
      %lt3A_371 = arith.constant 0 : i32
      %lt3A_372 = arith.cmpi slt, %select_n3A_365, %lt3A_371 : i32
      %ne3A_373 = arith.xori %lt3A_370, %lt3A_372 : i1
      %and3A_374 = arith.andi %ne3A_373, %ne3A_368 : i1
      %add3A_375 = arith.addi %rem3A_366, %select_n3A_365 : i32
      %select_n3A_376 = arith.select %and3A_374, %add3A_375, %rem3A_366 : i32
      %jit3A_377 = arith.constant 50 : i32
      %div3A_378 = arith.divsi %add3A_360, %jit3A_377 : i32
      %sign3A_379 = arith.constant 0 : i32
      %sign3A_380 = arith.cmpi sgt, %add3A_360, %sign3A_379 : i32
      %sign3A_381 = arith.extui %sign3A_380 : i1 to i32
      %sign3A_382 = arith.constant 0 : i32
      %sign3A_383 = arith.cmpi slt, %add3A_360, %sign3A_382 : i32
      %sign3A_384 = arith.extui %sign3A_383 : i1 to i32
      %sign3A_385 = arith.subi %sign3A_381, %sign3A_384 : i32
      %sign3A_386 = arith.constant 0 : i32
      %sign3A_387 = arith.cmpi sgt, %jit3A_377, %sign3A_386 : i32
      %sign3A_388 = arith.extui %sign3A_387 : i1 to i32
      %sign3A_389 = arith.constant 0 : i32
      %sign3A_390 = arith.cmpi slt, %jit3A_377, %sign3A_389 : i32
      %sign3A_391 = arith.extui %sign3A_390 : i1 to i32
      %sign3A_392 = arith.subi %sign3A_388, %sign3A_391 : i32
      %ne3A_393 = arith.cmpi ne, %sign3A_385, %sign3A_392 : i32
      %rem3A_394 = arith.remsi %add3A_360, %jit3A_377 : i32
      %ne3A_395 = arith.constant 0 : i32
      %ne3A_396 = arith.cmpi ne, %rem3A_394, %ne3A_395 : i32
      %and3A_397 = arith.andi %ne3A_393, %ne3A_396 : i1
      %sub3A_398 = arith.constant 1 : i32
      %sub3A_399 = arith.subi %div3A_378, %sub3A_398 : i32
      %select_n3A_400 = arith.select %and3A_397, %sub3A_399, %div3A_378 : i32
      %mul3A_401 = arith.constant 64 : i32
      %mul3A_402 = arith.muli %select_n3A_400, %mul3A_401 : i32
      %dma_wait3A_403 = tpu.memref_slice %arg5[%select_n3A_376, %mul3A_402] : memref<50x128xi32, #tpu.memory_space<vmem>> -> memref<1x64xi32, #tpu.memory_space<vmem>>
      %dma_wait3A_404 = tpu.memref_squeeze %dma_wait3A_403 : memref<1x64xi32, #tpu.memory_space<vmem>> -> memref<64xi32, #tpu.memory_space<vmem>>
      %dma_wait3A_405 = arith.constant 0 : i32
      %dma_wait3A_406 = arith.constant 0 : i32
      %dma_wait3A_407 = tpu.memref_slice %arg3[%dma_wait3A_405, %dma_wait3A_406] : memref<100000x128xf32, #tpu.memory_space<hbm>> -> memref<100000x128xf32, #tpu.memory_space<hbm>>
      tpu.wait_indirect_dma semaphore(%arg18 : memref<!tpu.dma_semaphore, #tpu.memory_space<semaphore_mem>>) src(%dma_wait3A_407 : memref<100000x128xf32, #tpu.memory_space<hbm>>) dst(%arg8 : memref<64x128xf32, #tpu.memory_space<vmem>>)
      %add3A_408 = arith.constant 2 : i32
      %add3A_409 = arith.addi %mul3A_168, %add3A_408 : i32
      %jit3A_410 = arith.constant 50 : i32
      %eq3A_411 = arith.constant 0 : i32
      %eq3A_412 = arith.cmpi eq, %jit3A_410, %eq3A_411 : i32
      %jit3A_413 = arith.constant 1 : i32
      %select_n3A_414 = arith.select %eq3A_412, %jit3A_413, %jit3A_410 : i32
      %rem3A_415 = arith.remsi %add3A_409, %select_n3A_414 : i32
      %ne3A_416 = arith.constant 0 : i32
      %ne3A_417 = arith.cmpi ne, %rem3A_415, %ne3A_416 : i32
      %lt3A_418 = arith.constant 0 : i32
      %lt3A_419 = arith.cmpi slt, %rem3A_415, %lt3A_418 : i32
      %lt3A_420 = arith.constant 0 : i32
      %lt3A_421 = arith.cmpi slt, %select_n3A_414, %lt3A_420 : i32
      %ne3A_422 = arith.xori %lt3A_419, %lt3A_421 : i1
      %and3A_423 = arith.andi %ne3A_422, %ne3A_417 : i1
      %add3A_424 = arith.addi %rem3A_415, %select_n3A_414 : i32
      %select_n3A_425 = arith.select %and3A_423, %add3A_424, %rem3A_415 : i32
      %jit3A_426 = arith.constant 50 : i32
      %div3A_427 = arith.divsi %add3A_409, %jit3A_426 : i32
      %sign3A_428 = arith.constant 0 : i32
      %sign3A_429 = arith.cmpi sgt, %add3A_409, %sign3A_428 : i32
      %sign3A_430 = arith.extui %sign3A_429 : i1 to i32
      %sign3A_431 = arith.constant 0 : i32
      %sign3A_432 = arith.cmpi slt, %add3A_409, %sign3A_431 : i32
      %sign3A_433 = arith.extui %sign3A_432 : i1 to i32
      %sign3A_434 = arith.subi %sign3A_430, %sign3A_433 : i32
      %sign3A_435 = arith.constant 0 : i32
      %sign3A_436 = arith.cmpi sgt, %jit3A_426, %sign3A_435 : i32
      %sign3A_437 = arith.extui %sign3A_436 : i1 to i32
      %sign3A_438 = arith.constant 0 : i32
      %sign3A_439 = arith.cmpi slt, %jit3A_426, %sign3A_438 : i32
      %sign3A_440 = arith.extui %sign3A_439 : i1 to i32
      %sign3A_441 = arith.subi %sign3A_437, %sign3A_440 : i32
      %ne3A_442 = arith.cmpi ne, %sign3A_434, %sign3A_441 : i32
      %rem3A_443 = arith.remsi %add3A_409, %jit3A_426 : i32
      %ne3A_444 = arith.constant 0 : i32
      %ne3A_445 = arith.cmpi ne, %rem3A_443, %ne3A_444 : i32
      %and3A_446 = arith.andi %ne3A_442, %ne3A_445 : i1
      %sub3A_447 = arith.constant 1 : i32
      %sub3A_448 = arith.subi %div3A_427, %sub3A_447 : i32
      %select_n3A_449 = arith.select %and3A_446, %sub3A_448, %div3A_427 : i32
      %mul3A_450 = arith.constant 64 : i32
      %mul3A_451 = arith.muli %select_n3A_449, %mul3A_450 : i32
      %add3A_452 = arith.addi %mul3A_2, %mul3A_451 : i32
      %dma_start3A_453 = arith.constant 0 : i32
      %dma_start3A_454 = tpu.memref_slice %arg4[%select_n3A_425, %add3A_452, %dma_start3A_453] : memref<50x4096x128xf32, #tpu.memory_space<hbm>> -> memref<1x64x128xf32, #tpu.memory_space<hbm>>
      %dma_start3A_455 = tpu.memref_squeeze %dma_start3A_454 : memref<1x64x128xf32, #tpu.memory_space<hbm>> -> memref<64x128xf32, #tpu.memory_space<hbm>>
      %dma_start3A_456 = arith.constant 0 : i32
      %dma_start3A_457 = tpu.memref_slice %arg4[%select_n3A_425, %add3A_452, %dma_start3A_456] : memref<50x4096x128xf32, #tpu.memory_space<hbm>> -> memref<1x64x128xf32, #tpu.memory_space<hbm>>
      %dma_start3A_458 = tpu.memref_squeeze %dma_start3A_457 : memref<1x64x128xf32, #tpu.memory_space<hbm>> -> memref<64x128xf32, #tpu.memory_space<hbm>>
      tpu.enqueue_dma source(%arg8 : memref<64x128xf32, #tpu.memory_space<vmem>>) target(%dma_start3A_458 : memref<64x128xf32, #tpu.memory_space<hbm>>) target_semaphore(%arg28 : memref<!tpu.dma_semaphore, #tpu.memory_space<semaphore_mem>>)
      %add3A_459 = arith.constant 3 : i32
      %add3A_460 = arith.addi %mul3A_168, %add3A_459 : i32
      %jit3A_461 = arith.constant 50 : i32
      %eq3A_462 = arith.constant 0 : i32
      %eq3A_463 = arith.cmpi eq, %jit3A_461, %eq3A_462 : i32
      %jit3A_464 = arith.constant 1 : i32
      %select_n3A_465 = arith.select %eq3A_463, %jit3A_464, %jit3A_461 : i32
      %rem3A_466 = arith.remsi %add3A_460, %select_n3A_465 : i32
      %ne3A_467 = arith.constant 0 : i32
      %ne3A_468 = arith.cmpi ne, %rem3A_466, %ne3A_467 : i32
      %lt3A_469 = arith.constant 0 : i32
      %lt3A_470 = arith.cmpi slt, %rem3A_466, %lt3A_469 : i32
      %lt3A_471 = arith.constant 0 : i32
      %lt3A_472 = arith.cmpi slt, %select_n3A_465, %lt3A_471 : i32
      %ne3A_473 = arith.xori %lt3A_470, %lt3A_472 : i1
      %and3A_474 = arith.andi %ne3A_473, %ne3A_468 : i1
      %add3A_475 = arith.addi %rem3A_466, %select_n3A_465 : i32
      %select_n3A_476 = arith.select %and3A_474, %add3A_475, %rem3A_466 : i32
      %jit3A_477 = arith.constant 50 : i32
      %div3A_478 = arith.divsi %add3A_460, %jit3A_477 : i32
      %sign3A_479 = arith.constant 0 : i32
      %sign3A_480 = arith.cmpi sgt, %add3A_460, %sign3A_479 : i32
      %sign3A_481 = arith.extui %sign3A_480 : i1 to i32
      %sign3A_482 = arith.constant 0 : i32
      %sign3A_483 = arith.cmpi slt, %add3A_460, %sign3A_482 : i32
      %sign3A_484 = arith.extui %sign3A_483 : i1 to i32
      %sign3A_485 = arith.subi %sign3A_481, %sign3A_484 : i32
      %sign3A_486 = arith.constant 0 : i32
      %sign3A_487 = arith.cmpi sgt, %jit3A_477, %sign3A_486 : i32
      %sign3A_488 = arith.extui %sign3A_487 : i1 to i32
      %sign3A_489 = arith.constant 0 : i32
      %sign3A_490 = arith.cmpi slt, %jit3A_477, %sign3A_489 : i32
      %sign3A_491 = arith.extui %sign3A_490 : i1 to i32
      %sign3A_492 = arith.subi %sign3A_488, %sign3A_491 : i32
      %ne3A_493 = arith.cmpi ne, %sign3A_485, %sign3A_492 : i32
      %rem3A_494 = arith.remsi %add3A_460, %jit3A_477 : i32
      %ne3A_495 = arith.constant 0 : i32
      %ne3A_496 = arith.cmpi ne, %rem3A_494, %ne3A_495 : i32
      %and3A_497 = arith.andi %ne3A_493, %ne3A_496 : i1
      %sub3A_498 = arith.constant 1 : i32
      %sub3A_499 = arith.subi %div3A_478, %sub3A_498 : i32
      %select_n3A_500 = arith.select %and3A_497, %sub3A_499, %div3A_478 : i32
      %mul3A_501 = arith.constant 64 : i32
      %mul3A_502 = arith.muli %select_n3A_500, %mul3A_501 : i32
      %dma_wait3A_503 = tpu.memref_slice %arg5[%select_n3A_476, %mul3A_502] : memref<50x128xi32, #tpu.memory_space<vmem>> -> memref<1x64xi32, #tpu.memory_space<vmem>>
      %dma_wait3A_504 = tpu.memref_squeeze %dma_wait3A_503 : memref<1x64xi32, #tpu.memory_space<vmem>> -> memref<64xi32, #tpu.memory_space<vmem>>
      %dma_wait3A_505 = arith.constant 0 : i32
      %dma_wait3A_506 = arith.constant 0 : i32
      %dma_wait3A_507 = tpu.memref_slice %arg3[%dma_wait3A_505, %dma_wait3A_506] : memref<100000x128xf32, #tpu.memory_space<hbm>> -> memref<100000x128xf32, #tpu.memory_space<hbm>>
      tpu.wait_indirect_dma semaphore(%arg19 : memref<!tpu.dma_semaphore, #tpu.memory_space<semaphore_mem>>) src(%dma_wait3A_507 : memref<100000x128xf32, #tpu.memory_space<hbm>>) dst(%arg9 : memref<64x128xf32, #tpu.memory_space<vmem>>)
      %add3A_508 = arith.constant 3 : i32
      %add3A_509 = arith.addi %mul3A_168, %add3A_508 : i32
      %jit3A_510 = arith.constant 50 : i32
      %eq3A_511 = arith.constant 0 : i32
      %eq3A_512 = arith.cmpi eq, %jit3A_510, %eq3A_511 : i32
      %jit3A_513 = arith.constant 1 : i32
      %select_n3A_514 = arith.select %eq3A_512, %jit3A_513, %jit3A_510 : i32
      %rem3A_515 = arith.remsi %add3A_509, %select_n3A_514 : i32
      %ne3A_516 = arith.constant 0 : i32
      %ne3A_517 = arith.cmpi ne, %rem3A_515, %ne3A_516 : i32
      %lt3A_518 = arith.constant 0 : i32
      %lt3A_519 = arith.cmpi slt, %rem3A_515, %lt3A_518 : i32
      %lt3A_520 = arith.constant 0 : i32
      %lt3A_521 = arith.cmpi slt, %select_n3A_514, %lt3A_520 : i32
      %ne3A_522 = arith.xori %lt3A_519, %lt3A_521 : i1
      %and3A_523 = arith.andi %ne3A_522, %ne3A_517 : i1
      %add3A_524 = arith.addi %rem3A_515, %select_n3A_514 : i32
      %select_n3A_525 = arith.select %and3A_523, %add3A_524, %rem3A_515 : i32
      %jit3A_526 = arith.constant 50 : i32
      %div3A_527 = arith.divsi %add3A_509, %jit3A_526 : i32
      %sign3A_528 = arith.constant 0 : i32
      %sign3A_529 = arith.cmpi sgt, %add3A_509, %sign3A_528 : i32
      %sign3A_530 = arith.extui %sign3A_529 : i1 to i32
      %sign3A_531 = arith.constant 0 : i32
      %sign3A_532 = arith.cmpi slt, %add3A_509, %sign3A_531 : i32
      %sign3A_533 = arith.extui %sign3A_532 : i1 to i32
      %sign3A_534 = arith.subi %sign3A_530, %sign3A_533 : i32
      %sign3A_535 = arith.constant 0 : i32
      %sign3A_536 = arith.cmpi sgt, %jit3A_526, %sign3A_535 : i32
      %sign3A_537 = arith.extui %sign3A_536 : i1 to i32
      %sign3A_538 = arith.constant 0 : i32
      %sign3A_539 = arith.cmpi slt, %jit3A_526, %sign3A_538 : i32
      %sign3A_540 = arith.extui %sign3A_539 : i1 to i32
      %sign3A_541 = arith.subi %sign3A_537, %sign3A_540 : i32
      %ne3A_542 = arith.cmpi ne, %sign3A_534, %sign3A_541 : i32
      %rem3A_543 = arith.remsi %add3A_509, %jit3A_526 : i32
      %ne3A_544 = arith.constant 0 : i32
      %ne3A_545 = arith.cmpi ne, %rem3A_543, %ne3A_544 : i32
      %and3A_546 = arith.andi %ne3A_542, %ne3A_545 : i1
      %sub3A_547 = arith.constant 1 : i32
      %sub3A_548 = arith.subi %div3A_527, %sub3A_547 : i32
      %select_n3A_549 = arith.select %and3A_546, %sub3A_548, %div3A_527 : i32
      %mul3A_550 = arith.constant 64 : i32
      %mul3A_551 = arith.muli %select_n3A_549, %mul3A_550 : i32
      %add3A_552 = arith.addi %mul3A_2, %mul3A_551 : i32
      %dma_start3A_553 = arith.constant 0 : i32
      %dma_start3A_554 = tpu.memref_slice %arg4[%select_n3A_525, %add3A_552, %dma_start3A_553] : memref<50x4096x128xf32, #tpu.memory_space<hbm>> -> memref<1x64x128xf32, #tpu.memory_space<hbm>>
      %dma_start3A_555 = tpu.memref_squeeze %dma_start3A_554 : memref<1x64x128xf32, #tpu.memory_space<hbm>> -> memref<64x128xf32, #tpu.memory_space<hbm>>
      %dma_start3A_556 = arith.constant 0 : i32
      %dma_start3A_557 = tpu.memref_slice %arg4[%select_n3A_525, %add3A_552, %dma_start3A_556] : memref<50x4096x128xf32, #tpu.memory_space<hbm>> -> memref<1x64x128xf32, #tpu.memory_space<hbm>>
      %dma_start3A_558 = tpu.memref_squeeze %dma_start3A_557 : memref<1x64x128xf32, #tpu.memory_space<hbm>> -> memref<64x128xf32, #tpu.memory_space<hbm>>
      tpu.enqueue_dma source(%arg9 : memref<64x128xf32, #tpu.memory_space<vmem>>) target(%dma_start3A_558 : memref<64x128xf32, #tpu.memory_space<hbm>>) target_semaphore(%arg29 : memref<!tpu.dma_semaphore, #tpu.memory_space<semaphore_mem>>)
      %add3A_559 = arith.constant 4 : i32
      %add3A_560 = arith.addi %mul3A_168, %add3A_559 : i32
      %jit3A_561 = arith.constant 50 : i32
      %eq3A_562 = arith.constant 0 : i32
      %eq3A_563 = arith.cmpi eq, %jit3A_561, %eq3A_562 : i32
      %jit3A_564 = arith.constant 1 : i32
      %select_n3A_565 = arith.select %eq3A_563, %jit3A_564, %jit3A_561 : i32
      %rem3A_566 = arith.remsi %add3A_560, %select_n3A_565 : i32
      %ne3A_567 = arith.constant 0 : i32
      %ne3A_568 = arith.cmpi ne, %rem3A_566, %ne3A_567 : i32
      %lt3A_569 = arith.constant 0 : i32
      %lt3A_570 = arith.cmpi slt, %rem3A_566, %lt3A_569 : i32
      %lt3A_571 = arith.constant 0 : i32
      %lt3A_572 = arith.cmpi slt, %select_n3A_565, %lt3A_571 : i32
      %ne3A_573 = arith.xori %lt3A_570, %lt3A_572 : i1
      %and3A_574 = arith.andi %ne3A_573, %ne3A_568 : i1
      %add3A_575 = arith.addi %rem3A_566, %select_n3A_565 : i32
      %select_n3A_576 = arith.select %and3A_574, %add3A_575, %rem3A_566 : i32
      %jit3A_577 = arith.constant 50 : i32
      %div3A_578 = arith.divsi %add3A_560, %jit3A_577 : i32
      %sign3A_579 = arith.constant 0 : i32
      %sign3A_580 = arith.cmpi sgt, %add3A_560, %sign3A_579 : i32
      %sign3A_581 = arith.extui %sign3A_580 : i1 to i32
      %sign3A_582 = arith.constant 0 : i32
      %sign3A_583 = arith.cmpi slt, %add3A_560, %sign3A_582 : i32
      %sign3A_584 = arith.extui %sign3A_583 : i1 to i32
      %sign3A_585 = arith.subi %sign3A_581, %sign3A_584 : i32
      %sign3A_586 = arith.constant 0 : i32
      %sign3A_587 = arith.cmpi sgt, %jit3A_577, %sign3A_586 : i32
      %sign3A_588 = arith.extui %sign3A_587 : i1 to i32
      %sign3A_589 = arith.constant 0 : i32
      %sign3A_590 = arith.cmpi slt, %jit3A_577, %sign3A_589 : i32
      %sign3A_591 = arith.extui %sign3A_590 : i1 to i32
      %sign3A_592 = arith.subi %sign3A_588, %sign3A_591 : i32
      %ne3A_593 = arith.cmpi ne, %sign3A_585, %sign3A_592 : i32
      %rem3A_594 = arith.remsi %add3A_560, %jit3A_577 : i32
      %ne3A_595 = arith.constant 0 : i32
      %ne3A_596 = arith.cmpi ne, %rem3A_594, %ne3A_595 : i32
      %and3A_597 = arith.andi %ne3A_593, %ne3A_596 : i1
      %sub3A_598 = arith.constant 1 : i32
      %sub3A_599 = arith.subi %div3A_578, %sub3A_598 : i32
      %select_n3A_600 = arith.select %and3A_597, %sub3A_599, %div3A_578 : i32
      %mul3A_601 = arith.constant 64 : i32
      %mul3A_602 = arith.muli %select_n3A_600, %mul3A_601 : i32
      %dma_wait3A_603 = tpu.memref_slice %arg5[%select_n3A_576, %mul3A_602] : memref<50x128xi32, #tpu.memory_space<vmem>> -> memref<1x64xi32, #tpu.memory_space<vmem>>
      %dma_wait3A_604 = tpu.memref_squeeze %dma_wait3A_603 : memref<1x64xi32, #tpu.memory_space<vmem>> -> memref<64xi32, #tpu.memory_space<vmem>>
      %dma_wait3A_605 = arith.constant 0 : i32
      %dma_wait3A_606 = arith.constant 0 : i32
      %dma_wait3A_607 = tpu.memref_slice %arg3[%dma_wait3A_605, %dma_wait3A_606] : memref<100000x128xf32, #tpu.memory_space<hbm>> -> memref<100000x128xf32, #tpu.memory_space<hbm>>
      tpu.wait_indirect_dma semaphore(%arg20 : memref<!tpu.dma_semaphore, #tpu.memory_space<semaphore_mem>>) src(%dma_wait3A_607 : memref<100000x128xf32, #tpu.memory_space<hbm>>) dst(%arg10 : memref<64x128xf32, #tpu.memory_space<vmem>>)
      %add3A_608 = arith.constant 4 : i32
      %add3A_609 = arith.addi %mul3A_168, %add3A_608 : i32
      %jit3A_610 = arith.constant 50 : i32
      %eq3A_611 = arith.constant 0 : i32
      %eq3A_612 = arith.cmpi eq, %jit3A_610, %eq3A_611 : i32
      %jit3A_613 = arith.constant 1 : i32
      %select_n3A_614 = arith.select %eq3A_612, %jit3A_613, %jit3A_610 : i32
      %rem3A_615 = arith.remsi %add3A_609, %select_n3A_614 : i32
      %ne3A_616 = arith.constant 0 : i32
      %ne3A_617 = arith.cmpi ne, %rem3A_615, %ne3A_616 : i32
      %lt3A_618 = arith.constant 0 : i32
      %lt3A_619 = arith.cmpi slt, %rem3A_615, %lt3A_618 : i32
      %lt3A_620 = arith.constant 0 : i32
      %lt3A_621 = arith.cmpi slt, %select_n3A_614, %lt3A_620 : i32
      %ne3A_622 = arith.xori %lt3A_619, %lt3A_621 : i1
      %and3A_623 = arith.andi %ne3A_622, %ne3A_617 : i1
      %add3A_624 = arith.addi %rem3A_615, %select_n3A_614 : i32
      %select_n3A_625 = arith.select %and3A_623, %add3A_624, %rem3A_615 : i32
      %jit3A_626 = arith.constant 50 : i32
      %div3A_627 = arith.divsi %add3A_609, %jit3A_626 : i32
      %sign3A_628 = arith.constant 0 : i32
      %sign3A_629 = arith.cmpi sgt, %add3A_609, %sign3A_628 : i32
      %sign3A_630 = arith.extui %sign3A_629 : i1 to i32
      %sign3A_631 = arith.constant 0 : i32
      %sign3A_632 = arith.cmpi slt, %add3A_609, %sign3A_631 : i32
      %sign3A_633 = arith.extui %sign3A_632 : i1 to i32
      %sign3A_634 = arith.subi %sign3A_630, %sign3A_633 : i32
      %sign3A_635 = arith.constant 0 : i32
      %sign3A_636 = arith.cmpi sgt, %jit3A_626, %sign3A_635 : i32
      %sign3A_637 = arith.extui %sign3A_636 : i1 to i32
      %sign3A_638 = arith.constant 0 : i32
      %sign3A_639 = arith.cmpi slt, %jit3A_626, %sign3A_638 : i32
      %sign3A_640 = arith.extui %sign3A_639 : i1 to i32
      %sign3A_641 = arith.subi %sign3A_637, %sign3A_640 : i32
      %ne3A_642 = arith.cmpi ne, %sign3A_634, %sign3A_641 : i32
      %rem3A_643 = arith.remsi %add3A_609, %jit3A_626 : i32
      %ne3A_644 = arith.constant 0 : i32
      %ne3A_645 = arith.cmpi ne, %rem3A_643, %ne3A_644 : i32
      %and3A_646 = arith.andi %ne3A_642, %ne3A_645 : i1
      %sub3A_647 = arith.constant 1 : i32
      %sub3A_648 = arith.subi %div3A_627, %sub3A_647 : i32
      %select_n3A_649 = arith.select %and3A_646, %sub3A_648, %div3A_627 : i32
      %mul3A_650 = arith.constant 64 : i32
      %mul3A_651 = arith.muli %select_n3A_649, %mul3A_650 : i32
      %add3A_652 = arith.addi %mul3A_2, %mul3A_651 : i32
      %dma_start3A_653 = arith.constant 0 : i32
      %dma_start3A_654 = tpu.memref_slice %arg4[%select_n3A_625, %add3A_652, %dma_start3A_653] : memref<50x4096x128xf32, #tpu.memory_space<hbm>> -> memref<1x64x128xf32, #tpu.memory_space<hbm>>
      %dma_start3A_655 = tpu.memref_squeeze %dma_start3A_654 : memref<1x64x128xf32, #tpu.memory_space<hbm>> -> memref<64x128xf32, #tpu.memory_space<hbm>>
      %dma_start3A_656 = arith.constant 0 : i32
      %dma_start3A_657 = tpu.memref_slice %arg4[%select_n3A_625, %add3A_652, %dma_start3A_656] : memref<50x4096x128xf32, #tpu.memory_space<hbm>> -> memref<1x64x128xf32, #tpu.memory_space<hbm>>
      %dma_start3A_658 = tpu.memref_squeeze %dma_start3A_657 : memref<1x64x128xf32, #tpu.memory_space<hbm>> -> memref<64x128xf32, #tpu.memory_space<hbm>>
      tpu.enqueue_dma source(%arg10 : memref<64x128xf32, #tpu.memory_space<vmem>>) target(%dma_start3A_658 : memref<64x128xf32, #tpu.memory_space<hbm>>) target_semaphore(%arg30 : memref<!tpu.dma_semaphore, #tpu.memory_space<semaphore_mem>>)
      %add3A_659 = arith.constant 5 : i32
      %add3A_660 = arith.addi %mul3A_168, %add3A_659 : i32
      %jit3A_661 = arith.constant 50 : i32
      %eq3A_662 = arith.constant 0 : i32
      %eq3A_663 = arith.cmpi eq, %jit3A_661, %eq3A_662 : i32
      %jit3A_664 = arith.constant 1 : i32
      %select_n3A_665 = arith.select %eq3A_663, %jit3A_664, %jit3A_661 : i32
      %rem3A_666 = arith.remsi %add3A_660, %select_n3A_665 : i32
      %ne3A_667 = arith.constant 0 : i32
      %ne3A_668 = arith.cmpi ne, %rem3A_666, %ne3A_667 : i32
      %lt3A_669 = arith.constant 0 : i32
      %lt3A_670 = arith.cmpi slt, %rem3A_666, %lt3A_669 : i32
      %lt3A_671 = arith.constant 0 : i32
      %lt3A_672 = arith.cmpi slt, %select_n3A_665, %lt3A_671 : i32
      %ne3A_673 = arith.xori %lt3A_670, %lt3A_672 : i1
      %and3A_674 = arith.andi %ne3A_673, %ne3A_668 : i1
      %add3A_675 = arith.addi %rem3A_666, %select_n3A_665 : i32
      %select_n3A_676 = arith.select %and3A_674, %add3A_675, %rem3A_666 : i32
      %jit3A_677 = arith.constant 50 : i32
      %div3A_678 = arith.divsi %add3A_660, %jit3A_677 : i32
      %sign3A_679 = arith.constant 0 : i32
      %sign3A_680 = arith.cmpi sgt, %add3A_660, %sign3A_679 : i32
      %sign3A_681 = arith.extui %sign3A_680 : i1 to i32
      %sign3A_682 = arith.constant 0 : i32
      %sign3A_683 = arith.cmpi slt, %add3A_660, %sign3A_682 : i32
      %sign3A_684 = arith.extui %sign3A_683 : i1 to i32
      %sign3A_685 = arith.subi %sign3A_681, %sign3A_684 : i32
      %sign3A_686 = arith.constant 0 : i32
      %sign3A_687 = arith.cmpi sgt, %jit3A_677, %sign3A_686 : i32
      %sign3A_688 = arith.extui %sign3A_687 : i1 to i32
      %sign3A_689 = arith.constant 0 : i32
      %sign3A_690 = arith.cmpi slt, %jit3A_677, %sign3A_689 : i32
      %sign3A_691 = arith.extui %sign3A_690 : i1 to i32
      %sign3A_692 = arith.subi %sign3A_688, %sign3A_691 : i32
      %ne3A_693 = arith.cmpi ne, %sign3A_685, %sign3A_692 : i32
      %rem3A_694 = arith.remsi %add3A_660, %jit3A_677 : i32
      %ne3A_695 = arith.constant 0 : i32
      %ne3A_696 = arith.cmpi ne, %rem3A_694, %ne3A_695 : i32
      %and3A_697 = arith.andi %ne3A_693, %ne3A_696 : i1
      %sub3A_698 = arith.constant 1 : i32
      %sub3A_699 = arith.subi %div3A_678, %sub3A_698 : i32
      %select_n3A_700 = arith.select %and3A_697, %sub3A_699, %div3A_678 : i32
      %mul3A_701 = arith.constant 64 : i32
      %mul3A_702 = arith.muli %select_n3A_700, %mul3A_701 : i32
      %dma_wait3A_703 = tpu.memref_slice %arg5[%select_n3A_676, %mul3A_702] : memref<50x128xi32, #tpu.memory_space<vmem>> -> memref<1x64xi32, #tpu.memory_space<vmem>>
      %dma_wait3A_704 = tpu.memref_squeeze %dma_wait3A_703 : memref<1x64xi32, #tpu.memory_space<vmem>> -> memref<64xi32, #tpu.memory_space<vmem>>
      %dma_wait3A_705 = arith.constant 0 : i32
      %dma_wait3A_706 = arith.constant 0 : i32
      %dma_wait3A_707 = tpu.memref_slice %arg3[%dma_wait3A_705, %dma_wait3A_706] : memref<100000x128xf32, #tpu.memory_space<hbm>> -> memref<100000x128xf32, #tpu.memory_space<hbm>>
      tpu.wait_indirect_dma semaphore(%arg21 : memref<!tpu.dma_semaphore, #tpu.memory_space<semaphore_mem>>) src(%dma_wait3A_707 : memref<100000x128xf32, #tpu.memory_space<hbm>>) dst(%arg11 : memref<64x128xf32, #tpu.memory_space<vmem>>)
      %add3A_708 = arith.constant 5 : i32
      %add3A_709 = arith.addi %mul3A_168, %add3A_708 : i32
      %jit3A_710 = arith.constant 50 : i32
      %eq3A_711 = arith.constant 0 : i32
      %eq3A_712 = arith.cmpi eq, %jit3A_710, %eq3A_711 : i32
      %jit3A_713 = arith.constant 1 : i32
      %select_n3A_714 = arith.select %eq3A_712, %jit3A_713, %jit3A_710 : i32
      %rem3A_715 = arith.remsi %add3A_709, %select_n3A_714 : i32
      %ne3A_716 = arith.constant 0 : i32
      %ne3A_717 = arith.cmpi ne, %rem3A_715, %ne3A_716 : i32
      %lt3A_718 = arith.constant 0 : i32
      %lt3A_719 = arith.cmpi slt, %rem3A_715, %lt3A_718 : i32
      %lt3A_720 = arith.constant 0 : i32
      %lt3A_721 = arith.cmpi slt, %select_n3A_714, %lt3A_720 : i32
      %ne3A_722 = arith.xori %lt3A_719, %lt3A_721 : i1
      %and3A_723 = arith.andi %ne3A_722, %ne3A_717 : i1
      %add3A_724 = arith.addi %rem3A_715, %select_n3A_714 : i32
      %select_n3A_725 = arith.select %and3A_723, %add3A_724, %rem3A_715 : i32
      %jit3A_726 = arith.constant 50 : i32
      %div3A_727 = arith.divsi %add3A_709, %jit3A_726 : i32
      %sign3A_728 = arith.constant 0 : i32
      %sign3A_729 = arith.cmpi sgt, %add3A_709, %sign3A_728 : i32
      %sign3A_730 = arith.extui %sign3A_729 : i1 to i32
      %sign3A_731 = arith.constant 0 : i32
      %sign3A_732 = arith.cmpi slt, %add3A_709, %sign3A_731 : i32
      %sign3A_733 = arith.extui %sign3A_732 : i1 to i32
      %sign3A_734 = arith.subi %sign3A_730, %sign3A_733 : i32
      %sign3A_735 = arith.constant 0 : i32
      %sign3A_736 = arith.cmpi sgt, %jit3A_726, %sign3A_735 : i32
      %sign3A_737 = arith.extui %sign3A_736 : i1 to i32
      %sign3A_738 = arith.constant 0 : i32
      %sign3A_739 = arith.cmpi slt, %jit3A_726, %sign3A_738 : i32
      %sign3A_740 = arith.extui %sign3A_739 : i1 to i32
      %sign3A_741 = arith.subi %sign3A_737, %sign3A_740 : i32
      %ne3A_742 = arith.cmpi ne, %sign3A_734, %sign3A_741 : i32
      %rem3A_743 = arith.remsi %add3A_709, %jit3A_726 : i32
      %ne3A_744 = arith.constant 0 : i32
      %ne3A_745 = arith.cmpi ne, %rem3A_743, %ne3A_744 : i32
      %and3A_746 = arith.andi %ne3A_742, %ne3A_745 : i1
      %sub3A_747 = arith.constant 1 : i32
      %sub3A_748 = arith.subi %div3A_727, %sub3A_747 : i32
      %select_n3A_749 = arith.select %and3A_746, %sub3A_748, %div3A_727 : i32
      %mul3A_750 = arith.constant 64 : i32
      %mul3A_751 = arith.muli %select_n3A_749, %mul3A_750 : i32
      %add3A_752 = arith.addi %mul3A_2, %mul3A_751 : i32
      %dma_start3A_753 = arith.constant 0 : i32
      %dma_start3A_754 = tpu.memref_slice %arg4[%select_n3A_725, %add3A_752, %dma_start3A_753] : memref<50x4096x128xf32, #tpu.memory_space<hbm>> -> memref<1x64x128xf32, #tpu.memory_space<hbm>>
      %dma_start3A_755 = tpu.memref_squeeze %dma_start3A_754 : memref<1x64x128xf32, #tpu.memory_space<hbm>> -> memref<64x128xf32, #tpu.memory_space<hbm>>
      %dma_start3A_756 = arith.constant 0 : i32
      %dma_start3A_757 = tpu.memref_slice %arg4[%select_n3A_725, %add3A_752, %dma_start3A_756] : memref<50x4096x128xf32, #tpu.memory_space<hbm>> -> memref<1x64x128xf32, #tpu.memory_space<hbm>>
      %dma_start3A_758 = tpu.memref_squeeze %dma_start3A_757 : memref<1x64x128xf32, #tpu.memory_space<hbm>> -> memref<64x128xf32, #tpu.memory_space<hbm>>
      tpu.enqueue_dma source(%arg11 : memref<64x128xf32, #tpu.memory_space<vmem>>) target(%dma_start3A_758 : memref<64x128xf32, #tpu.memory_space<hbm>>) target_semaphore(%arg31 : memref<!tpu.dma_semaphore, #tpu.memory_space<semaphore_mem>>)
      %add3A_759 = arith.constant 6 : i32
      %add3A_760 = arith.addi %mul3A_168, %add3A_759 : i32
      %jit3A_761 = arith.constant 50 : i32
      %eq3A_762 = arith.constant 0 : i32
      %eq3A_763 = arith.cmpi eq, %jit3A_761, %eq3A_762 : i32
      %jit3A_764 = arith.constant 1 : i32
      %select_n3A_765 = arith.select %eq3A_763, %jit3A_764, %jit3A_761 : i32
      %rem3A_766 = arith.remsi %add3A_760, %select_n3A_765 : i32
      %ne3A_767 = arith.constant 0 : i32
      %ne3A_768 = arith.cmpi ne, %rem3A_766, %ne3A_767 : i32
      %lt3A_769 = arith.constant 0 : i32
      %lt3A_770 = arith.cmpi slt, %rem3A_766, %lt3A_769 : i32
      %lt3A_771 = arith.constant 0 : i32
      %lt3A_772 = arith.cmpi slt, %select_n3A_765, %lt3A_771 : i32
      %ne3A_773 = arith.xori %lt3A_770, %lt3A_772 : i1
      %and3A_774 = arith.andi %ne3A_773, %ne3A_768 : i1
      %add3A_775 = arith.addi %rem3A_766, %select_n3A_765 : i32
      %select_n3A_776 = arith.select %and3A_774, %add3A_775, %rem3A_766 : i32
      %jit3A_777 = arith.constant 50 : i32
      %div3A_778 = arith.divsi %add3A_760, %jit3A_777 : i32
      %sign3A_779 = arith.constant 0 : i32
      %sign3A_780 = arith.cmpi sgt, %add3A_760, %sign3A_779 : i32
      %sign3A_781 = arith.extui %sign3A_780 : i1 to i32
      %sign3A_782 = arith.constant 0 : i32
      %sign3A_783 = arith.cmpi slt, %add3A_760, %sign3A_782 : i32
      %sign3A_784 = arith.extui %sign3A_783 : i1 to i32
      %sign3A_785 = arith.subi %sign3A_781, %sign3A_784 : i32
      %sign3A_786 = arith.constant 0 : i32
      %sign3A_787 = arith.cmpi sgt, %jit3A_777, %sign3A_786 : i32
      %sign3A_788 = arith.extui %sign3A_787 : i1 to i32
      %sign3A_789 = arith.constant 0 : i32
      %sign3A_790 = arith.cmpi slt, %jit3A_777, %sign3A_789 : i32
      %sign3A_791 = arith.extui %sign3A_790 : i1 to i32
      %sign3A_792 = arith.subi %sign3A_788, %sign3A_791 : i32
      %ne3A_793 = arith.cmpi ne, %sign3A_785, %sign3A_792 : i32
      %rem3A_794 = arith.remsi %add3A_760, %jit3A_777 : i32
      %ne3A_795 = arith.constant 0 : i32
      %ne3A_796 = arith.cmpi ne, %rem3A_794, %ne3A_795 : i32
      %and3A_797 = arith.andi %ne3A_793, %ne3A_796 : i1
      %sub3A_798 = arith.constant 1 : i32
      %sub3A_799 = arith.subi %div3A_778, %sub3A_798 : i32
      %select_n3A_800 = arith.select %and3A_797, %sub3A_799, %div3A_778 : i32
      %mul3A_801 = arith.constant 64 : i32
      %mul3A_802 = arith.muli %select_n3A_800, %mul3A_801 : i32
      %dma_wait3A_803 = tpu.memref_slice %arg5[%select_n3A_776, %mul3A_802] : memref<50x128xi32, #tpu.memory_space<vmem>> -> memref<1x64xi32, #tpu.memory_space<vmem>>
      %dma_wait3A_804 = tpu.memref_squeeze %dma_wait3A_803 : memref<1x64xi32, #tpu.memory_space<vmem>> -> memref<64xi32, #tpu.memory_space<vmem>>
      %dma_wait3A_805 = arith.constant 0 : i32
      %dma_wait3A_806 = arith.constant 0 : i32
      %dma_wait3A_807 = tpu.memref_slice %arg3[%dma_wait3A_805, %dma_wait3A_806] : memref<100000x128xf32, #tpu.memory_space<hbm>> -> memref<100000x128xf32, #tpu.memory_space<hbm>>
      tpu.wait_indirect_dma semaphore(%arg22 : memref<!tpu.dma_semaphore, #tpu.memory_space<semaphore_mem>>) src(%dma_wait3A_807 : memref<100000x128xf32, #tpu.memory_space<hbm>>) dst(%arg12 : memref<64x128xf32, #tpu.memory_space<vmem>>)
      %add3A_808 = arith.constant 6 : i32
      %add3A_809 = arith.addi %mul3A_168, %add3A_808 : i32
      %jit3A_810 = arith.constant 50 : i32
      %eq3A_811 = arith.constant 0 : i32
      %eq3A_812 = arith.cmpi eq, %jit3A_810, %eq3A_811 : i32
      %jit3A_813 = arith.constant 1 : i32
      %select_n3A_814 = arith.select %eq3A_812, %jit3A_813, %jit3A_810 : i32
      %rem3A_815 = arith.remsi %add3A_809, %select_n3A_814 : i32
      %ne3A_816 = arith.constant 0 : i32
      %ne3A_817 = arith.cmpi ne, %rem3A_815, %ne3A_816 : i32
      %lt3A_818 = arith.constant 0 : i32
      %lt3A_819 = arith.cmpi slt, %rem3A_815, %lt3A_818 : i32
      %lt3A_820 = arith.constant 0 : i32
      %lt3A_821 = arith.cmpi slt, %select_n3A_814, %lt3A_820 : i32
      %ne3A_822 = arith.xori %lt3A_819, %lt3A_821 : i1
      %and3A_823 = arith.andi %ne3A_822, %ne3A_817 : i1
      %add3A_824 = arith.addi %rem3A_815, %select_n3A_814 : i32
      %select_n3A_825 = arith.select %and3A_823, %add3A_824, %rem3A_815 : i32
      %jit3A_826 = arith.constant 50 : i32
      %div3A_827 = arith.divsi %add3A_809, %jit3A_826 : i32
      %sign3A_828 = arith.constant 0 : i32
      %sign3A_829 = arith.cmpi sgt, %add3A_809, %sign3A_828 : i32
      %sign3A_830 = arith.extui %sign3A_829 : i1 to i32
      %sign3A_831 = arith.constant 0 : i32
      %sign3A_832 = arith.cmpi slt, %add3A_809, %sign3A_831 : i32
      %sign3A_833 = arith.extui %sign3A_832 : i1 to i32
      %sign3A_834 = arith.subi %sign3A_830, %sign3A_833 : i32
      %sign3A_835 = arith.constant 0 : i32
      %sign3A_836 = arith.cmpi sgt, %jit3A_826, %sign3A_835 : i32
      %sign3A_837 = arith.extui %sign3A_836 : i1 to i32
      %sign3A_838 = arith.constant 0 : i32
      %sign3A_839 = arith.cmpi slt, %jit3A_826, %sign3A_838 : i32
      %sign3A_840 = arith.extui %sign3A_839 : i1 to i32
      %sign3A_841 = arith.subi %sign3A_837, %sign3A_840 : i32
      %ne3A_842 = arith.cmpi ne, %sign3A_834, %sign3A_841 : i32
      %rem3A_843 = arith.remsi %add3A_809, %jit3A_826 : i32
      %ne3A_844 = arith.constant 0 : i32
      %ne3A_845 = arith.cmpi ne, %rem3A_843, %ne3A_844 : i32
      %and3A_846 = arith.andi %ne3A_842, %ne3A_845 : i1
      %sub3A_847 = arith.constant 1 : i32
      %sub3A_848 = arith.subi %div3A_827, %sub3A_847 : i32
      %select_n3A_849 = arith.select %and3A_846, %sub3A_848, %div3A_827 : i32
      %mul3A_850 = arith.constant 64 : i32
      %mul3A_851 = arith.muli %select_n3A_849, %mul3A_850 : i32
      %add3A_852 = arith.addi %mul3A_2, %mul3A_851 : i32
      %dma_start3A_853 = arith.constant 0 : i32
      %dma_start3A_854 = tpu.memref_slice %arg4[%select_n3A_825, %add3A_852, %dma_start3A_853] : memref<50x4096x128xf32, #tpu.memory_space<hbm>> -> memref<1x64x128xf32, #tpu.memory_space<hbm>>
      %dma_start3A_855 = tpu.memref_squeeze %dma_start3A_854 : memref<1x64x128xf32, #tpu.memory_space<hbm>> -> memref<64x128xf32, #tpu.memory_space<hbm>>
      %dma_start3A_856 = arith.constant 0 : i32
      %dma_start3A_857 = tpu.memref_slice %arg4[%select_n3A_825, %add3A_852, %dma_start3A_856] : memref<50x4096x128xf32, #tpu.memory_space<hbm>> -> memref<1x64x128xf32, #tpu.memory_space<hbm>>
      %dma_start3A_858 = tpu.memref_squeeze %dma_start3A_857 : memref<1x64x128xf32, #tpu.memory_space<hbm>> -> memref<64x128xf32, #tpu.memory_space<hbm>>
      tpu.enqueue_dma source(%arg12 : memref<64x128xf32, #tpu.memory_space<vmem>>) target(%dma_start3A_858 : memref<64x128xf32, #tpu.memory_space<hbm>>) target_semaphore(%arg32 : memref<!tpu.dma_semaphore, #tpu.memory_space<semaphore_mem>>)
      %add3A_859 = arith.constant 7 : i32
      %add3A_860 = arith.addi %mul3A_168, %add3A_859 : i32
      %jit3A_861 = arith.constant 50 : i32
      %eq3A_862 = arith.constant 0 : i32
      %eq3A_863 = arith.cmpi eq, %jit3A_861, %eq3A_862 : i32
      %jit3A_864 = arith.constant 1 : i32
      %select_n3A_865 = arith.select %eq3A_863, %jit3A_864, %jit3A_861 : i32
      %rem3A_866 = arith.remsi %add3A_860, %select_n3A_865 : i32
      %ne3A_867 = arith.constant 0 : i32
      %ne3A_868 = arith.cmpi ne, %rem3A_866, %ne3A_867 : i32
      %lt3A_869 = arith.constant 0 : i32
      %lt3A_870 = arith.cmpi slt, %rem3A_866, %lt3A_869 : i32
      %lt3A_871 = arith.constant 0 : i32
      %lt3A_872 = arith.cmpi slt, %select_n3A_865, %lt3A_871 : i32
      %ne3A_873 = arith.xori %lt3A_870, %lt3A_872 : i1
      %and3A_874 = arith.andi %ne3A_873, %ne3A_868 : i1
      %add3A_875 = arith.addi %rem3A_866, %select_n3A_865 : i32
      %select_n3A_876 = arith.select %and3A_874, %add3A_875, %rem3A_866 : i32
      %jit3A_877 = arith.constant 50 : i32
      %div3A_878 = arith.divsi %add3A_860, %jit3A_877 : i32
      %sign3A_879 = arith.constant 0 : i32
      %sign3A_880 = arith.cmpi sgt, %add3A_860, %sign3A_879 : i32
      %sign3A_881 = arith.extui %sign3A_880 : i1 to i32
      %sign3A_882 = arith.constant 0 : i32
      %sign3A_883 = arith.cmpi slt, %add3A_860, %sign3A_882 : i32
      %sign3A_884 = arith.extui %sign3A_883 : i1 to i32
      %sign3A_885 = arith.subi %sign3A_881, %sign3A_884 : i32
      %sign3A_886 = arith.constant 0 : i32
      %sign3A_887 = arith.cmpi sgt, %jit3A_877, %sign3A_886 : i32
      %sign3A_888 = arith.extui %sign3A_887 : i1 to i32
      %sign3A_889 = arith.constant 0 : i32
      %sign3A_890 = arith.cmpi slt, %jit3A_877, %sign3A_889 : i32
      %sign3A_891 = arith.extui %sign3A_890 : i1 to i32
      %sign3A_892 = arith.subi %sign3A_888, %sign3A_891 : i32
      %ne3A_893 = arith.cmpi ne, %sign3A_885, %sign3A_892 : i32
      %rem3A_894 = arith.remsi %add3A_860, %jit3A_877 : i32
      %ne3A_895 = arith.constant 0 : i32
      %ne3A_896 = arith.cmpi ne, %rem3A_894, %ne3A_895 : i32
      %and3A_897 = arith.andi %ne3A_893, %ne3A_896 : i1
      %sub3A_898 = arith.constant 1 : i32
      %sub3A_899 = arith.subi %div3A_878, %sub3A_898 : i32
      %select_n3A_900 = arith.select %and3A_897, %sub3A_899, %div3A_878 : i32
      %mul3A_901 = arith.constant 64 : i32
      %mul3A_902 = arith.muli %select_n3A_900, %mul3A_901 : i32
      %dma_wait3A_903 = tpu.memref_slice %arg5[%select_n3A_876, %mul3A_902] : memref<50x128xi32, #tpu.memory_space<vmem>> -> memref<1x64xi32, #tpu.memory_space<vmem>>
      %dma_wait3A_904 = tpu.memref_squeeze %dma_wait3A_903 : memref<1x64xi32, #tpu.memory_space<vmem>> -> memref<64xi32, #tpu.memory_space<vmem>>
      %dma_wait3A_905 = arith.constant 0 : i32
      %dma_wait3A_906 = arith.constant 0 : i32
      %dma_wait3A_907 = tpu.memref_slice %arg3[%dma_wait3A_905, %dma_wait3A_906] : memref<100000x128xf32, #tpu.memory_space<hbm>> -> memref<100000x128xf32, #tpu.memory_space<hbm>>
      tpu.wait_indirect_dma semaphore(%arg23 : memref<!tpu.dma_semaphore, #tpu.memory_space<semaphore_mem>>) src(%dma_wait3A_907 : memref<100000x128xf32, #tpu.memory_space<hbm>>) dst(%arg13 : memref<64x128xf32, #tpu.memory_space<vmem>>)
      %add3A_908 = arith.constant 7 : i32
      %add3A_909 = arith.addi %mul3A_168, %add3A_908 : i32
      %jit3A_910 = arith.constant 50 : i32
      %eq3A_911 = arith.constant 0 : i32
      %eq3A_912 = arith.cmpi eq, %jit3A_910, %eq3A_911 : i32
      %jit3A_913 = arith.constant 1 : i32
      %select_n3A_914 = arith.select %eq3A_912, %jit3A_913, %jit3A_910 : i32
      %rem3A_915 = arith.remsi %add3A_909, %select_n3A_914 : i32
      %ne3A_916 = arith.constant 0 : i32
      %ne3A_917 = arith.cmpi ne, %rem3A_915, %ne3A_916 : i32
      %lt3A_918 = arith.constant 0 : i32
      %lt3A_919 = arith.cmpi slt, %rem3A_915, %lt3A_918 : i32
      %lt3A_920 = arith.constant 0 : i32
      %lt3A_921 = arith.cmpi slt, %select_n3A_914, %lt3A_920 : i32
      %ne3A_922 = arith.xori %lt3A_919, %lt3A_921 : i1
      %and3A_923 = arith.andi %ne3A_922, %ne3A_917 : i1
      %add3A_924 = arith.addi %rem3A_915, %select_n3A_914 : i32
      %select_n3A_925 = arith.select %and3A_923, %add3A_924, %rem3A_915 : i32
      %jit3A_926 = arith.constant 50 : i32
      %div3A_927 = arith.divsi %add3A_909, %jit3A_926 : i32
      %sign3A_928 = arith.constant 0 : i32
      %sign3A_929 = arith.cmpi sgt, %add3A_909, %sign3A_928 : i32
      %sign3A_930 = arith.extui %sign3A_929 : i1 to i32
      %sign3A_931 = arith.constant 0 : i32
      %sign3A_932 = arith.cmpi slt, %add3A_909, %sign3A_931 : i32
      %sign3A_933 = arith.extui %sign3A_932 : i1 to i32
      %sign3A_934 = arith.subi %sign3A_930, %sign3A_933 : i32
      %sign3A_935 = arith.constant 0 : i32
      %sign3A_936 = arith.cmpi sgt, %jit3A_926, %sign3A_935 : i32
      %sign3A_937 = arith.extui %sign3A_936 : i1 to i32
      %sign3A_938 = arith.constant 0 : i32
      %sign3A_939 = arith.cmpi slt, %jit3A_926, %sign3A_938 : i32
      %sign3A_940 = arith.extui %sign3A_939 : i1 to i32
      %sign3A_941 = arith.subi %sign3A_937, %sign3A_940 : i32
      %ne3A_942 = arith.cmpi ne, %sign3A_934, %sign3A_941 : i32
      %rem3A_943 = arith.remsi %add3A_909, %jit3A_926 : i32
      %ne3A_944 = arith.constant 0 : i32
      %ne3A_945 = arith.cmpi ne, %rem3A_943, %ne3A_944 : i32
      %and3A_946 = arith.andi %ne3A_942, %ne3A_945 : i1
      %sub3A_947 = arith.constant 1 : i32
      %sub3A_948 = arith.subi %div3A_927, %sub3A_947 : i32
      %select_n3A_949 = arith.select %and3A_946, %sub3A_948, %div3A_927 : i32
      %mul3A_950 = arith.constant 64 : i32
      %mul3A_951 = arith.muli %select_n3A_949, %mul3A_950 : i32
      %add3A_952 = arith.addi %mul3A_2, %mul3A_951 : i32
      %dma_start3A_953 = arith.constant 0 : i32
      %dma_start3A_954 = tpu.memref_slice %arg4[%select_n3A_925, %add3A_952, %dma_start3A_953] : memref<50x4096x128xf32, #tpu.memory_space<hbm>> -> memref<1x64x128xf32, #tpu.memory_space<hbm>>
      %dma_start3A_955 = tpu.memref_squeeze %dma_start3A_954 : memref<1x64x128xf32, #tpu.memory_space<hbm>> -> memref<64x128xf32, #tpu.memory_space<hbm>>
      %dma_start3A_956 = arith.constant 0 : i32
      %dma_start3A_957 = tpu.memref_slice %arg4[%select_n3A_925, %add3A_952, %dma_start3A_956] : memref<50x4096x128xf32, #tpu.memory_space<hbm>> -> memref<1x64x128xf32, #tpu.memory_space<hbm>>
      %dma_start3A_958 = tpu.memref_squeeze %dma_start3A_957 : memref<1x64x128xf32, #tpu.memory_space<hbm>> -> memref<64x128xf32, #tpu.memory_space<hbm>>
      tpu.enqueue_dma source(%arg13 : memref<64x128xf32, #tpu.memory_space<vmem>>) target(%dma_start3A_958 : memref<64x128xf32, #tpu.memory_space<hbm>>) target_semaphore(%arg33 : memref<!tpu.dma_semaphore, #tpu.memory_space<semaphore_mem>>)
      %add3A_959 = arith.constant 8 : i32
      %add3A_960 = arith.addi %mul3A_168, %add3A_959 : i32
      %jit3A_961 = arith.constant 50 : i32
      %eq3A_962 = arith.constant 0 : i32
      %eq3A_963 = arith.cmpi eq, %jit3A_961, %eq3A_962 : i32
      %jit3A_964 = arith.constant 1 : i32
      %select_n3A_965 = arith.select %eq3A_963, %jit3A_964, %jit3A_961 : i32
      %rem3A_966 = arith.remsi %add3A_960, %select_n3A_965 : i32
      %ne3A_967 = arith.constant 0 : i32
      %ne3A_968 = arith.cmpi ne, %rem3A_966, %ne3A_967 : i32
      %lt3A_969 = arith.constant 0 : i32
      %lt3A_970 = arith.cmpi slt, %rem3A_966, %lt3A_969 : i32
      %lt3A_971 = arith.constant 0 : i32
      %lt3A_972 = arith.cmpi slt, %select_n3A_965, %lt3A_971 : i32
      %ne3A_973 = arith.xori %lt3A_970, %lt3A_972 : i1
      %and3A_974 = arith.andi %ne3A_973, %ne3A_968 : i1
      %add3A_975 = arith.addi %rem3A_966, %select_n3A_965 : i32
      %select_n3A_976 = arith.select %and3A_974, %add3A_975, %rem3A_966 : i32
      %jit3A_977 = arith.constant 50 : i32
      %div3A_978 = arith.divsi %add3A_960, %jit3A_977 : i32
      %sign3A_979 = arith.constant 0 : i32
      %sign3A_980 = arith.cmpi sgt, %add3A_960, %sign3A_979 : i32
      %sign3A_981 = arith.extui %sign3A_980 : i1 to i32
      %sign3A_982 = arith.constant 0 : i32
      %sign3A_983 = arith.cmpi slt, %add3A_960, %sign3A_982 : i32
      %sign3A_984 = arith.extui %sign3A_983 : i1 to i32
      %sign3A_985 = arith.subi %sign3A_981, %sign3A_984 : i32
      %sign3A_986 = arith.constant 0 : i32
      %sign3A_987 = arith.cmpi sgt, %jit3A_977, %sign3A_986 : i32
      %sign3A_988 = arith.extui %sign3A_987 : i1 to i32
      %sign3A_989 = arith.constant 0 : i32
      %sign3A_990 = arith.cmpi slt, %jit3A_977, %sign3A_989 : i32
      %sign3A_991 = arith.extui %sign3A_990 : i1 to i32
      %sign3A_992 = arith.subi %sign3A_988, %sign3A_991 : i32
      %ne3A_993 = arith.cmpi ne, %sign3A_985, %sign3A_992 : i32
      %rem3A_994 = arith.remsi %add3A_960, %jit3A_977 : i32
      %ne3A_995 = arith.constant 0 : i32
      %ne3A_996 = arith.cmpi ne, %rem3A_994, %ne3A_995 : i32
      %and3A_997 = arith.andi %ne3A_993, %ne3A_996 : i1
      %sub3A_998 = arith.constant 1 : i32
      %sub3A_999 = arith.subi %div3A_978, %sub3A_998 : i32
      %select_n3A_1000 = arith.select %and3A_997, %sub3A_999, %div3A_978 : i32
      %mul3A_1001 = arith.constant 64 : i32
      %mul3A_1002 = arith.muli %select_n3A_1000, %mul3A_1001 : i32
      %dma_wait3A_1003 = tpu.memref_slice %arg5[%select_n3A_976, %mul3A_1002] : memref<50x128xi32, #tpu.memory_space<vmem>> -> memref<1x64xi32, #tpu.memory_space<vmem>>
      %dma_wait3A_1004 = tpu.memref_squeeze %dma_wait3A_1003 : memref<1x64xi32, #tpu.memory_space<vmem>> -> memref<64xi32, #tpu.memory_space<vmem>>
      %dma_wait3A_1005 = arith.constant 0 : i32
      %dma_wait3A_1006 = arith.constant 0 : i32
      %dma_wait3A_1007 = tpu.memref_slice %arg3[%dma_wait3A_1005, %dma_wait3A_1006] : memref<100000x128xf32, #tpu.memory_space<hbm>> -> memref<100000x128xf32, #tpu.memory_space<hbm>>
      tpu.wait_indirect_dma semaphore(%arg24 : memref<!tpu.dma_semaphore, #tpu.memory_space<semaphore_mem>>) src(%dma_wait3A_1007 : memref<100000x128xf32, #tpu.memory_space<hbm>>) dst(%arg14 : memref<64x128xf32, #tpu.memory_space<vmem>>)
      %add3A_1008 = arith.constant 8 : i32
      %add3A_1009 = arith.addi %mul3A_168, %add3A_1008 : i32
      %jit3A_1010 = arith.constant 50 : i32
      %eq3A_1011 = arith.constant 0 : i32
      %eq3A_1012 = arith.cmpi eq, %jit3A_1010, %eq3A_1011 : i32
      %jit3A_1013 = arith.constant 1 : i32
      %select_n3A_1014 = arith.select %eq3A_1012, %jit3A_1013, %jit3A_1010 : i32
      %rem3A_1015 = arith.remsi %add3A_1009, %select_n3A_1014 : i32
      %ne3A_1016 = arith.constant 0 : i32
      %ne3A_1017 = arith.cmpi ne, %rem3A_1015, %ne3A_1016 : i32
      %lt3A_1018 = arith.constant 0 : i32
      %lt3A_1019 = arith.cmpi slt, %rem3A_1015, %lt3A_1018 : i32
      %lt3A_1020 = arith.constant 0 : i32
      %lt3A_1021 = arith.cmpi slt, %select_n3A_1014, %lt3A_1020 : i32
      %ne3A_1022 = arith.xori %lt3A_1019, %lt3A_1021 : i1
      %and3A_1023 = arith.andi %ne3A_1022, %ne3A_1017 : i1
      %add3A_1024 = arith.addi %rem3A_1015, %select_n3A_1014 : i32
      %select_n3A_1025 = arith.select %and3A_1023, %add3A_1024, %rem3A_1015 : i32
      %jit3A_1026 = arith.constant 50 : i32
      %div3A_1027 = arith.divsi %add3A_1009, %jit3A_1026 : i32
      %sign3A_1028 = arith.constant 0 : i32
      %sign3A_1029 = arith.cmpi sgt, %add3A_1009, %sign3A_1028 : i32
      %sign3A_1030 = arith.extui %sign3A_1029 : i1 to i32
      %sign3A_1031 = arith.constant 0 : i32
      %sign3A_1032 = arith.cmpi slt, %add3A_1009, %sign3A_1031 : i32
      %sign3A_1033 = arith.extui %sign3A_1032 : i1 to i32
      %sign3A_1034 = arith.subi %sign3A_1030, %sign3A_1033 : i32
      %sign3A_1035 = arith.constant 0 : i32
      %sign3A_1036 = arith.cmpi sgt, %jit3A_1026, %sign3A_1035 : i32
      %sign3A_1037 = arith.extui %sign3A_1036 : i1 to i32
      %sign3A_1038 = arith.constant 0 : i32
      %sign3A_1039 = arith.cmpi slt, %jit3A_1026, %sign3A_1038 : i32
      %sign3A_1040 = arith.extui %sign3A_1039 : i1 to i32
      %sign3A_1041 = arith.subi %sign3A_1037, %sign3A_1040 : i32
      %ne3A_1042 = arith.cmpi ne, %sign3A_1034, %sign3A_1041 : i32
      %rem3A_1043 = arith.remsi %add3A_1009, %jit3A_1026 : i32
      %ne3A_1044 = arith.constant 0 : i32
      %ne3A_1045 = arith.cmpi ne, %rem3A_1043, %ne3A_1044 : i32
      %and3A_1046 = arith.andi %ne3A_1042, %ne3A_1045 : i1
      %sub3A_1047 = arith.constant 1 : i32
      %sub3A_1048 = arith.subi %div3A_1027, %sub3A_1047 : i32
      %select_n3A_1049 = arith.select %and3A_1046, %sub3A_1048, %div3A_1027 : i32
      %mul3A_1050 = arith.constant 64 : i32
      %mul3A_1051 = arith.muli %select_n3A_1049, %mul3A_1050 : i32
      %add3A_1052 = arith.addi %mul3A_2, %mul3A_1051 : i32
      %dma_start3A_1053 = arith.constant 0 : i32
      %dma_start3A_1054 = tpu.memref_slice %arg4[%select_n3A_1025, %add3A_1052, %dma_start3A_1053] : memref<50x4096x128xf32, #tpu.memory_space<hbm>> -> memref<1x64x128xf32, #tpu.memory_space<hbm>>
      %dma_start3A_1055 = tpu.memref_squeeze %dma_start3A_1054 : memref<1x64x128xf32, #tpu.memory_space<hbm>> -> memref<64x128xf32, #tpu.memory_space<hbm>>
      %dma_start3A_1056 = arith.constant 0 : i32
      %dma_start3A_1057 = tpu.memref_slice %arg4[%select_n3A_1025, %add3A_1052, %dma_start3A_1056] : memref<50x4096x128xf32, #tpu.memory_space<hbm>> -> memref<1x64x128xf32, #tpu.memory_space<hbm>>
      %dma_start3A_1058 = tpu.memref_squeeze %dma_start3A_1057 : memref<1x64x128xf32, #tpu.memory_space<hbm>> -> memref<64x128xf32, #tpu.memory_space<hbm>>
      tpu.enqueue_dma source(%arg14 : memref<64x128xf32, #tpu.memory_space<vmem>>) target(%dma_start3A_1058 : memref<64x128xf32, #tpu.memory_space<hbm>>) target_semaphore(%arg34 : memref<!tpu.dma_semaphore, #tpu.memory_space<semaphore_mem>>)
      %add3A_1059 = arith.constant 9 : i32
      %add3A_1060 = arith.addi %mul3A_168, %add3A_1059 : i32
      %jit3A_1061 = arith.constant 50 : i32
      %eq3A_1062 = arith.constant 0 : i32
      %eq3A_1063 = arith.cmpi eq, %jit3A_1061, %eq3A_1062 : i32
      %jit3A_1064 = arith.constant 1 : i32
      %select_n3A_1065 = arith.select %eq3A_1063, %jit3A_1064, %jit3A_1061 : i32
      %rem3A_1066 = arith.remsi %add3A_1060, %select_n3A_1065 : i32
      %ne3A_1067 = arith.constant 0 : i32
      %ne3A_1068 = arith.cmpi ne, %rem3A_1066, %ne3A_1067 : i32
      %lt3A_1069 = arith.constant 0 : i32
      %lt3A_1070 = arith.cmpi slt, %rem3A_1066, %lt3A_1069 : i32
      %lt3A_1071 = arith.constant 0 : i32
      %lt3A_1072 = arith.cmpi slt, %select_n3A_1065, %lt3A_1071 : i32
      %ne3A_1073 = arith.xori %lt3A_1070, %lt3A_1072 : i1
      %and3A_1074 = arith.andi %ne3A_1073, %ne3A_1068 : i1
      %add3A_1075 = arith.addi %rem3A_1066, %select_n3A_1065 : i32
      %select_n3A_1076 = arith.select %and3A_1074, %add3A_1075, %rem3A_1066 : i32
      %jit3A_1077 = arith.constant 50 : i32
      %div3A_1078 = arith.divsi %add3A_1060, %jit3A_1077 : i32
      %sign3A_1079 = arith.constant 0 : i32
      %sign3A_1080 = arith.cmpi sgt, %add3A_1060, %sign3A_1079 : i32
      %sign3A_1081 = arith.extui %sign3A_1080 : i1 to i32
      %sign3A_1082 = arith.constant 0 : i32
      %sign3A_1083 = arith.cmpi slt, %add3A_1060, %sign3A_1082 : i32
      %sign3A_1084 = arith.extui %sign3A_1083 : i1 to i32
      %sign3A_1085 = arith.subi %sign3A_1081, %sign3A_1084 : i32
      %sign3A_1086 = arith.constant 0 : i32
      %sign3A_1087 = arith.cmpi sgt, %jit3A_1077, %sign3A_1086 : i32
      %sign3A_1088 = arith.extui %sign3A_1087 : i1 to i32
      %sign3A_1089 = arith.constant 0 : i32
      %sign3A_1090 = arith.cmpi slt, %jit3A_1077, %sign3A_1089 : i32
      %sign3A_1091 = arith.extui %sign3A_1090 : i1 to i32
      %sign3A_1092 = arith.subi %sign3A_1088, %sign3A_1091 : i32
      %ne3A_1093 = arith.cmpi ne, %sign3A_1085, %sign3A_1092 : i32
      %rem3A_1094 = arith.remsi %add3A_1060, %jit3A_1077 : i32
      %ne3A_1095 = arith.constant 0 : i32
      %ne3A_1096 = arith.cmpi ne, %rem3A_1094, %ne3A_1095 : i32
      %and3A_1097 = arith.andi %ne3A_1093, %ne3A_1096 : i1
      %sub3A_1098 = arith.constant 1 : i32
      %sub3A_1099 = arith.subi %div3A_1078, %sub3A_1098 : i32
      %select_n3A_1100 = arith.select %and3A_1097, %sub3A_1099, %div3A_1078 : i32
      %mul3A_1101 = arith.constant 64 : i32
      %mul3A_1102 = arith.muli %select_n3A_1100, %mul3A_1101 : i32
      %dma_wait3A_1103 = tpu.memref_slice %arg5[%select_n3A_1076, %mul3A_1102] : memref<50x128xi32, #tpu.memory_space<vmem>> -> memref<1x64xi32, #tpu.memory_space<vmem>>
      %dma_wait3A_1104 = tpu.memref_squeeze %dma_wait3A_1103 : memref<1x64xi32, #tpu.memory_space<vmem>> -> memref<64xi32, #tpu.memory_space<vmem>>
      %dma_wait3A_1105 = arith.constant 0 : i32
      %dma_wait3A_1106 = arith.constant 0 : i32
      %dma_wait3A_1107 = tpu.memref_slice %arg3[%dma_wait3A_1105, %dma_wait3A_1106] : memref<100000x128xf32, #tpu.memory_space<hbm>> -> memref<100000x128xf32, #tpu.memory_space<hbm>>
      tpu.wait_indirect_dma semaphore(%arg25 : memref<!tpu.dma_semaphore, #tpu.memory_space<semaphore_mem>>) src(%dma_wait3A_1107 : memref<100000x128xf32, #tpu.memory_space<hbm>>) dst(%arg15 : memref<64x128xf32, #tpu.memory_space<vmem>>)
      %add3A_1108 = arith.constant 9 : i32
      %add3A_1109 = arith.addi %mul3A_168, %add3A_1108 : i32
      %jit3A_1110 = arith.constant 50 : i32
      %eq3A_1111 = arith.constant 0 : i32
      %eq3A_1112 = arith.cmpi eq, %jit3A_1110, %eq3A_1111 : i32
      %jit3A_1113 = arith.constant 1 : i32
      %select_n3A_1114 = arith.select %eq3A_1112, %jit3A_1113, %jit3A_1110 : i32
      %rem3A_1115 = arith.remsi %add3A_1109, %select_n3A_1114 : i32
      %ne3A_1116 = arith.constant 0 : i32
      %ne3A_1117 = arith.cmpi ne, %rem3A_1115, %ne3A_1116 : i32
      %lt3A_1118 = arith.constant 0 : i32
      %lt3A_1119 = arith.cmpi slt, %rem3A_1115, %lt3A_1118 : i32
      %lt3A_1120 = arith.constant 0 : i32
      %lt3A_1121 = arith.cmpi slt, %select_n3A_1114, %lt3A_1120 : i32
      %ne3A_1122 = arith.xori %lt3A_1119, %lt3A_1121 : i1
      %and3A_1123 = arith.andi %ne3A_1122, %ne3A_1117 : i1
      %add3A_1124 = arith.addi %rem3A_1115, %select_n3A_1114 : i32
      %select_n3A_1125 = arith.select %and3A_1123, %add3A_1124, %rem3A_1115 : i32
      %jit3A_1126 = arith.constant 50 : i32
      %div3A_1127 = arith.divsi %add3A_1109, %jit3A_1126 : i32
      %sign3A_1128 = arith.constant 0 : i32
      %sign3A_1129 = arith.cmpi sgt, %add3A_1109, %sign3A_1128 : i32
      %sign3A_1130 = arith.extui %sign3A_1129 : i1 to i32
      %sign3A_1131 = arith.constant 0 : i32
      %sign3A_1132 = arith.cmpi slt, %add3A_1109, %sign3A_1131 : i32
      %sign3A_1133 = arith.extui %sign3A_1132 : i1 to i32
      %sign3A_1134 = arith.subi %sign3A_1130, %sign3A_1133 : i32
      %sign3A_1135 = arith.constant 0 : i32
      %sign3A_1136 = arith.cmpi sgt, %jit3A_1126, %sign3A_1135 : i32
      %sign3A_1137 = arith.extui %sign3A_1136 : i1 to i32
      %sign3A_1138 = arith.constant 0 : i32
      %sign3A_1139 = arith.cmpi slt, %jit3A_1126, %sign3A_1138 : i32
      %sign3A_1140 = arith.extui %sign3A_1139 : i1 to i32
      %sign3A_1141 = arith.subi %sign3A_1137, %sign3A_1140 : i32
      %ne3A_1142 = arith.cmpi ne, %sign3A_1134, %sign3A_1141 : i32
      %rem3A_1143 = arith.remsi %add3A_1109, %jit3A_1126 : i32
      %ne3A_1144 = arith.constant 0 : i32
      %ne3A_1145 = arith.cmpi ne, %rem3A_1143, %ne3A_1144 : i32
      %and3A_1146 = arith.andi %ne3A_1142, %ne3A_1145 : i1
      %sub3A_1147 = arith.constant 1 : i32
      %sub3A_1148 = arith.subi %div3A_1127, %sub3A_1147 : i32
      %select_n3A_1149 = arith.select %and3A_1146, %sub3A_1148, %div3A_1127 : i32
      %mul3A_1150 = arith.constant 64 : i32
      %mul3A_1151 = arith.muli %select_n3A_1149, %mul3A_1150 : i32
      %add3A_1152 = arith.addi %mul3A_2, %mul3A_1151 : i32
      %dma_start3A_1153 = arith.constant 0 : i32
      %dma_start3A_1154 = tpu.memref_slice %arg4[%select_n3A_1125, %add3A_1152, %dma_start3A_1153] : memref<50x4096x128xf32, #tpu.memory_space<hbm>> -> memref<1x64x128xf32, #tpu.memory_space<hbm>>
      %dma_start3A_1155 = tpu.memref_squeeze %dma_start3A_1154 : memref<1x64x128xf32, #tpu.memory_space<hbm>> -> memref<64x128xf32, #tpu.memory_space<hbm>>
      %dma_start3A_1156 = arith.constant 0 : i32
      %dma_start3A_1157 = tpu.memref_slice %arg4[%select_n3A_1125, %add3A_1152, %dma_start3A_1156] : memref<50x4096x128xf32, #tpu.memory_space<hbm>> -> memref<1x64x128xf32, #tpu.memory_space<hbm>>
      %dma_start3A_1158 = tpu.memref_squeeze %dma_start3A_1157 : memref<1x64x128xf32, #tpu.memory_space<hbm>> -> memref<64x128xf32, #tpu.memory_space<hbm>>
      tpu.enqueue_dma source(%arg15 : memref<64x128xf32, #tpu.memory_space<vmem>>) target(%dma_start3A_1158 : memref<64x128xf32, #tpu.memory_space<hbm>>) target_semaphore(%arg35 : memref<!tpu.dma_semaphore, #tpu.memory_space<semaphore_mem>>)
      %lt3A_1159 = arith.constant 9 : i32
      %lt3A_1160 = arith.cmpi slt, %scan3A_166, %lt3A_1159 : i32
      %convert_element_type3A = arith.extui %lt3A_1160 : i1 to i32
      %cond3A = arith.constant 0 : i32
      %cond3A_1161 = arith.cmpi ne, %convert_element_type3A, %cond3A : i32
      scf.if %cond3A_1161 {
        %add3A_1162 = arith.constant 0 : i32
        %add3A_1163 = arith.addi %mul3A_168, %add3A_1162 : i32
        %jit3A_1164 = arith.constant 50 : i32
        %eq3A_1165 = arith.constant 0 : i32
        %eq3A_1166 = arith.cmpi eq, %jit3A_1164, %eq3A_1165 : i32
        %jit3A_1167 = arith.constant 1 : i32
        %select_n3A_1168 = arith.select %eq3A_1166, %jit3A_1167, %jit3A_1164 : i32
        %rem3A_1169 = arith.remsi %add3A_1163, %select_n3A_1168 : i32
        %ne3A_1170 = arith.constant 0 : i32
        %ne3A_1171 = arith.cmpi ne, %rem3A_1169, %ne3A_1170 : i32
        %lt3A_1172 = arith.constant 0 : i32
        %lt3A_1173 = arith.cmpi slt, %rem3A_1169, %lt3A_1172 : i32
        %lt3A_1174 = arith.constant 0 : i32
        %lt3A_1175 = arith.cmpi slt, %select_n3A_1168, %lt3A_1174 : i32
        %ne3A_1176 = arith.xori %lt3A_1173, %lt3A_1175 : i1
        %and3A_1177 = arith.andi %ne3A_1176, %ne3A_1171 : i1
        %add3A_1178 = arith.addi %rem3A_1169, %select_n3A_1168 : i32
        %select_n3A_1179 = arith.select %and3A_1177, %add3A_1178, %rem3A_1169 : i32
        %jit3A_1180 = arith.constant 50 : i32
        %div3A_1181 = arith.divsi %add3A_1163, %jit3A_1180 : i32
        %sign3A_1182 = arith.constant 0 : i32
        %sign3A_1183 = arith.cmpi sgt, %add3A_1163, %sign3A_1182 : i32
        %sign3A_1184 = arith.extui %sign3A_1183 : i1 to i32
        %sign3A_1185 = arith.constant 0 : i32
        %sign3A_1186 = arith.cmpi slt, %add3A_1163, %sign3A_1185 : i32
        %sign3A_1187 = arith.extui %sign3A_1186 : i1 to i32
        %sign3A_1188 = arith.subi %sign3A_1184, %sign3A_1187 : i32
        %sign3A_1189 = arith.constant 0 : i32
        %sign3A_1190 = arith.cmpi sgt, %jit3A_1180, %sign3A_1189 : i32
        %sign3A_1191 = arith.extui %sign3A_1190 : i1 to i32
        %sign3A_1192 = arith.constant 0 : i32
        %sign3A_1193 = arith.cmpi slt, %jit3A_1180, %sign3A_1192 : i32
        %sign3A_1194 = arith.extui %sign3A_1193 : i1 to i32
        %sign3A_1195 = arith.subi %sign3A_1191, %sign3A_1194 : i32
        %ne3A_1196 = arith.cmpi ne, %sign3A_1188, %sign3A_1195 : i32
        %rem3A_1197 = arith.remsi %add3A_1163, %jit3A_1180 : i32
        %ne3A_1198 = arith.constant 0 : i32
        %ne3A_1199 = arith.cmpi ne, %rem3A_1197, %ne3A_1198 : i32
        %and3A_1200 = arith.andi %ne3A_1196, %ne3A_1199 : i1
        %sub3A_1201 = arith.constant 1 : i32
        %sub3A_1202 = arith.subi %div3A_1181, %sub3A_1201 : i32
        %select_n3A_1203 = arith.select %and3A_1200, %sub3A_1202, %div3A_1181 : i32
        %mul3A_1204 = arith.constant 64 : i32
        %mul3A_1205 = arith.muli %select_n3A_1203, %mul3A_1204 : i32
        %add3A_1206 = arith.addi %mul3A_2, %mul3A_1205 : i32
        %dma_wait3A_1207 = arith.constant 0 : i32
        %dma_wait3A_1208 = tpu.memref_slice %arg4[%select_n3A_1179, %add3A_1206, %dma_wait3A_1207] : memref<50x4096x128xf32, #tpu.memory_space<hbm>> -> memref<1x64x128xf32, #tpu.memory_space<hbm>>
        %dma_wait3A_1209 = tpu.memref_squeeze %dma_wait3A_1208 : memref<1x64x128xf32, #tpu.memory_space<hbm>> -> memref<64x128xf32, #tpu.memory_space<hbm>>
        %dma_wait3A_1210 = arith.constant 0 : i32
        %dma_wait3A_1211 = tpu.memref_slice %arg4[%select_n3A_1179, %add3A_1206, %dma_wait3A_1210] : memref<50x4096x128xf32, #tpu.memory_space<hbm>> -> memref<1x64x128xf32, #tpu.memory_space<hbm>>
        %dma_wait3A_1212 = tpu.memref_squeeze %dma_wait3A_1211 : memref<1x64x128xf32, #tpu.memory_space<hbm>> -> memref<64x128xf32, #tpu.memory_space<hbm>>
        tpu.wait_dma2 semaphore(%arg26 : memref<!tpu.dma_semaphore, #tpu.memory_space<semaphore_mem>>) src(%arg6 : memref<64x128xf32, #tpu.memory_space<vmem>>) dst(%dma_wait3A_1212 : memref<64x128xf32, #tpu.memory_space<hbm>>)
        %add3A_1213 = arith.constant 10 : i32
        %add3A_1214 = arith.addi %mul3A_168, %add3A_1213 : i32
        %add3A_1215 = arith.constant 0 : i32
        %add3A_1216 = arith.addi %add3A_1214, %add3A_1215 : i32
        %jit3A_1217 = arith.constant 50 : i32
        %eq3A_1218 = arith.constant 0 : i32
        %eq3A_1219 = arith.cmpi eq, %jit3A_1217, %eq3A_1218 : i32
        %jit3A_1220 = arith.constant 1 : i32
        %select_n3A_1221 = arith.select %eq3A_1219, %jit3A_1220, %jit3A_1217 : i32
        %rem3A_1222 = arith.remsi %add3A_1216, %select_n3A_1221 : i32
        %ne3A_1223 = arith.constant 0 : i32
        %ne3A_1224 = arith.cmpi ne, %rem3A_1222, %ne3A_1223 : i32
        %lt3A_1225 = arith.constant 0 : i32
        %lt3A_1226 = arith.cmpi slt, %rem3A_1222, %lt3A_1225 : i32
        %lt3A_1227 = arith.constant 0 : i32
        %lt3A_1228 = arith.cmpi slt, %select_n3A_1221, %lt3A_1227 : i32
        %ne3A_1229 = arith.xori %lt3A_1226, %lt3A_1228 : i1
        %and3A_1230 = arith.andi %ne3A_1229, %ne3A_1224 : i1
        %add3A_1231 = arith.addi %rem3A_1222, %select_n3A_1221 : i32
        %select_n3A_1232 = arith.select %and3A_1230, %add3A_1231, %rem3A_1222 : i32
        %jit3A_1233 = arith.constant 50 : i32
        %div3A_1234 = arith.divsi %add3A_1216, %jit3A_1233 : i32
        %sign3A_1235 = arith.constant 0 : i32
        %sign3A_1236 = arith.cmpi sgt, %add3A_1216, %sign3A_1235 : i32
        %sign3A_1237 = arith.extui %sign3A_1236 : i1 to i32
        %sign3A_1238 = arith.constant 0 : i32
        %sign3A_1239 = arith.cmpi slt, %add3A_1216, %sign3A_1238 : i32
        %sign3A_1240 = arith.extui %sign3A_1239 : i1 to i32
        %sign3A_1241 = arith.subi %sign3A_1237, %sign3A_1240 : i32
        %sign3A_1242 = arith.constant 0 : i32
        %sign3A_1243 = arith.cmpi sgt, %jit3A_1233, %sign3A_1242 : i32
        %sign3A_1244 = arith.extui %sign3A_1243 : i1 to i32
        %sign3A_1245 = arith.constant 0 : i32
        %sign3A_1246 = arith.cmpi slt, %jit3A_1233, %sign3A_1245 : i32
        %sign3A_1247 = arith.extui %sign3A_1246 : i1 to i32
        %sign3A_1248 = arith.subi %sign3A_1244, %sign3A_1247 : i32
        %ne3A_1249 = arith.cmpi ne, %sign3A_1241, %sign3A_1248 : i32
        %rem3A_1250 = arith.remsi %add3A_1216, %jit3A_1233 : i32
        %ne3A_1251 = arith.constant 0 : i32
        %ne3A_1252 = arith.cmpi ne, %rem3A_1250, %ne3A_1251 : i32
        %and3A_1253 = arith.andi %ne3A_1249, %ne3A_1252 : i1
        %sub3A_1254 = arith.constant 1 : i32
        %sub3A_1255 = arith.subi %div3A_1234, %sub3A_1254 : i32
        %select_n3A_1256 = arith.select %and3A_1253, %sub3A_1255, %div3A_1234 : i32
        %mul3A_1257 = arith.constant 64 : i32
        %mul3A_1258 = arith.muli %select_n3A_1256, %mul3A_1257 : i32
        %dma_start3A_1259 = tpu.memref_slice %arg5[%select_n3A_1232, %mul3A_1258] : memref<50x128xi32, #tpu.memory_space<vmem>> -> memref<1x64xi32, #tpu.memory_space<vmem>>
        %dma_start3A_1260 = tpu.memref_squeeze %dma_start3A_1259 : memref<1x64xi32, #tpu.memory_space<vmem>> -> memref<64xi32, #tpu.memory_space<vmem>>
        %dma_start3A_1261 = arith.constant 0 : i32
        %dma_start3A_1262 = arith.constant 0 : i32
        %dma_start3A_1263 = tpu.memref_slice %arg3[%dma_start3A_1261, %dma_start3A_1262] : memref<100000x128xf32, #tpu.memory_space<hbm>> -> memref<100000x128xf32, #tpu.memory_space<hbm>>
        tpu.enqueue_indirect_dma source(%dma_start3A_1263 : memref<100000x128xf32, #tpu.memory_space<hbm>>) target(%arg6 : memref<64x128xf32, #tpu.memory_space<vmem>>) offsets(%dma_start3A_1260 : memref<64xi32, #tpu.memory_space<vmem>>) semaphore(%arg16 : memref<!tpu.dma_semaphore, #tpu.memory_space<semaphore_mem>>)
        %add3A_1264 = arith.constant 1 : i32
        %add3A_1265 = arith.addi %mul3A_168, %add3A_1264 : i32
        %jit3A_1266 = arith.constant 50 : i32
        %eq3A_1267 = arith.constant 0 : i32
        %eq3A_1268 = arith.cmpi eq, %jit3A_1266, %eq3A_1267 : i32
        %jit3A_1269 = arith.constant 1 : i32
        %select_n3A_1270 = arith.select %eq3A_1268, %jit3A_1269, %jit3A_1266 : i32
        %rem3A_1271 = arith.remsi %add3A_1265, %select_n3A_1270 : i32
        %ne3A_1272 = arith.constant 0 : i32
        %ne3A_1273 = arith.cmpi ne, %rem3A_1271, %ne3A_1272 : i32
        %lt3A_1274 = arith.constant 0 : i32
        %lt3A_1275 = arith.cmpi slt, %rem3A_1271, %lt3A_1274 : i32
        %lt3A_1276 = arith.constant 0 : i32
        %lt3A_1277 = arith.cmpi slt, %select_n3A_1270, %lt3A_1276 : i32
        %ne3A_1278 = arith.xori %lt3A_1275, %lt3A_1277 : i1
        %and3A_1279 = arith.andi %ne3A_1278, %ne3A_1273 : i1
        %add3A_1280 = arith.addi %rem3A_1271, %select_n3A_1270 : i32
        %select_n3A_1281 = arith.select %and3A_1279, %add3A_1280, %rem3A_1271 : i32
        %jit3A_1282 = arith.constant 50 : i32
        %div3A_1283 = arith.divsi %add3A_1265, %jit3A_1282 : i32
        %sign3A_1284 = arith.constant 0 : i32
        %sign3A_1285 = arith.cmpi sgt, %add3A_1265, %sign3A_1284 : i32
        %sign3A_1286 = arith.extui %sign3A_1285 : i1 to i32
        %sign3A_1287 = arith.constant 0 : i32
        %sign3A_1288 = arith.cmpi slt, %add3A_1265, %sign3A_1287 : i32
        %sign3A_1289 = arith.extui %sign3A_1288 : i1 to i32
        %sign3A_1290 = arith.subi %sign3A_1286, %sign3A_1289 : i32
        %sign3A_1291 = arith.constant 0 : i32
        %sign3A_1292 = arith.cmpi sgt, %jit3A_1282, %sign3A_1291 : i32
        %sign3A_1293 = arith.extui %sign3A_1292 : i1 to i32
        %sign3A_1294 = arith.constant 0 : i32
        %sign3A_1295 = arith.cmpi slt, %jit3A_1282, %sign3A_1294 : i32
        %sign3A_1296 = arith.extui %sign3A_1295 : i1 to i32
        %sign3A_1297 = arith.subi %sign3A_1293, %sign3A_1296 : i32
        %ne3A_1298 = arith.cmpi ne, %sign3A_1290, %sign3A_1297 : i32
        %rem3A_1299 = arith.remsi %add3A_1265, %jit3A_1282 : i32
        %ne3A_1300 = arith.constant 0 : i32
        %ne3A_1301 = arith.cmpi ne, %rem3A_1299, %ne3A_1300 : i32
        %and3A_1302 = arith.andi %ne3A_1298, %ne3A_1301 : i1
        %sub3A_1303 = arith.constant 1 : i32
        %sub3A_1304 = arith.subi %div3A_1283, %sub3A_1303 : i32
        %select_n3A_1305 = arith.select %and3A_1302, %sub3A_1304, %div3A_1283 : i32
        %mul3A_1306 = arith.constant 64 : i32
        %mul3A_1307 = arith.muli %select_n3A_1305, %mul3A_1306 : i32
        %add3A_1308 = arith.addi %mul3A_2, %mul3A_1307 : i32
        %dma_wait3A_1309 = arith.constant 0 : i32
        %dma_wait3A_1310 = tpu.memref_slice %arg4[%select_n3A_1281, %add3A_1308, %dma_wait3A_1309] : memref<50x4096x128xf32, #tpu.memory_space<hbm>> -> memref<1x64x128xf32, #tpu.memory_space<hbm>>
        %dma_wait3A_1311 = tpu.memref_squeeze %dma_wait3A_1310 : memref<1x64x128xf32, #tpu.memory_space<hbm>> -> memref<64x128xf32, #tpu.memory_space<hbm>>
        %dma_wait3A_1312 = arith.constant 0 : i32
        %dma_wait3A_1313 = tpu.memref_slice %arg4[%select_n3A_1281, %add3A_1308, %dma_wait3A_1312] : memref<50x4096x128xf32, #tpu.memory_space<hbm>> -> memref<1x64x128xf32, #tpu.memory_space<hbm>>
        %dma_wait3A_1314 = tpu.memref_squeeze %dma_wait3A_1313 : memref<1x64x128xf32, #tpu.memory_space<hbm>> -> memref<64x128xf32, #tpu.memory_space<hbm>>
        tpu.wait_dma2 semaphore(%arg27 : memref<!tpu.dma_semaphore, #tpu.memory_space<semaphore_mem>>) src(%arg7 : memref<64x128xf32, #tpu.memory_space<vmem>>) dst(%dma_wait3A_1314 : memref<64x128xf32, #tpu.memory_space<hbm>>)
        %add3A_1315 = arith.constant 10 : i32
        %add3A_1316 = arith.addi %mul3A_168, %add3A_1315 : i32
        %add3A_1317 = arith.constant 1 : i32
        %add3A_1318 = arith.addi %add3A_1316, %add3A_1317 : i32
        %jit3A_1319 = arith.constant 50 : i32
        %eq3A_1320 = arith.constant 0 : i32
        %eq3A_1321 = arith.cmpi eq, %jit3A_1319, %eq3A_1320 : i32
        %jit3A_1322 = arith.constant 1 : i32
        %select_n3A_1323 = arith.select %eq3A_1321, %jit3A_1322, %jit3A_1319 : i32
        %rem3A_1324 = arith.remsi %add3A_1318, %select_n3A_1323 : i32
        %ne3A_1325 = arith.constant 0 : i32
        %ne3A_1326 = arith.cmpi ne, %rem3A_1324, %ne3A_1325 : i32
        %lt3A_1327 = arith.constant 0 : i32
        %lt3A_1328 = arith.cmpi slt, %rem3A_1324, %lt3A_1327 : i32
        %lt3A_1329 = arith.constant 0 : i32
        %lt3A_1330 = arith.cmpi slt, %select_n3A_1323, %lt3A_1329 : i32
        %ne3A_1331 = arith.xori %lt3A_1328, %lt3A_1330 : i1
        %and3A_1332 = arith.andi %ne3A_1331, %ne3A_1326 : i1
        %add3A_1333 = arith.addi %rem3A_1324, %select_n3A_1323 : i32
        %select_n3A_1334 = arith.select %and3A_1332, %add3A_1333, %rem3A_1324 : i32
        %jit3A_1335 = arith.constant 50 : i32
        %div3A_1336 = arith.divsi %add3A_1318, %jit3A_1335 : i32
        %sign3A_1337 = arith.constant 0 : i32
        %sign3A_1338 = arith.cmpi sgt, %add3A_1318, %sign3A_1337 : i32
        %sign3A_1339 = arith.extui %sign3A_1338 : i1 to i32
        %sign3A_1340 = arith.constant 0 : i32
        %sign3A_1341 = arith.cmpi slt, %add3A_1318, %sign3A_1340 : i32
        %sign3A_1342 = arith.extui %sign3A_1341 : i1 to i32
        %sign3A_1343 = arith.subi %sign3A_1339, %sign3A_1342 : i32
        %sign3A_1344 = arith.constant 0 : i32
        %sign3A_1345 = arith.cmpi sgt, %jit3A_1335, %sign3A_1344 : i32
        %sign3A_1346 = arith.extui %sign3A_1345 : i1 to i32
        %sign3A_1347 = arith.constant 0 : i32
        %sign3A_1348 = arith.cmpi slt, %jit3A_1335, %sign3A_1347 : i32
        %sign3A_1349 = arith.extui %sign3A_1348 : i1 to i32
        %sign3A_1350 = arith.subi %sign3A_1346, %sign3A_1349 : i32
        %ne3A_1351 = arith.cmpi ne, %sign3A_1343, %sign3A_1350 : i32
        %rem3A_1352 = arith.remsi %add3A_1318, %jit3A_1335 : i32
        %ne3A_1353 = arith.constant 0 : i32
        %ne3A_1354 = arith.cmpi ne, %rem3A_1352, %ne3A_1353 : i32
        %and3A_1355 = arith.andi %ne3A_1351, %ne3A_1354 : i1
        %sub3A_1356 = arith.constant 1 : i32
        %sub3A_1357 = arith.subi %div3A_1336, %sub3A_1356 : i32
        %select_n3A_1358 = arith.select %and3A_1355, %sub3A_1357, %div3A_1336 : i32
        %mul3A_1359 = arith.constant 64 : i32
        %mul3A_1360 = arith.muli %select_n3A_1358, %mul3A_1359 : i32
        %dma_start3A_1361 = tpu.memref_slice %arg5[%select_n3A_1334, %mul3A_1360] : memref<50x128xi32, #tpu.memory_space<vmem>> -> memref<1x64xi32, #tpu.memory_space<vmem>>
        %dma_start3A_1362 = tpu.memref_squeeze %dma_start3A_1361 : memref<1x64xi32, #tpu.memory_space<vmem>> -> memref<64xi32, #tpu.memory_space<vmem>>
        %dma_start3A_1363 = arith.constant 0 : i32
        %dma_start3A_1364 = arith.constant 0 : i32
        %dma_start3A_1365 = tpu.memref_slice %arg3[%dma_start3A_1363, %dma_start3A_1364] : memref<100000x128xf32, #tpu.memory_space<hbm>> -> memref<100000x128xf32, #tpu.memory_space<hbm>>
        tpu.enqueue_indirect_dma source(%dma_start3A_1365 : memref<100000x128xf32, #tpu.memory_space<hbm>>) target(%arg7 : memref<64x128xf32, #tpu.memory_space<vmem>>) offsets(%dma_start3A_1362 : memref<64xi32, #tpu.memory_space<vmem>>) semaphore(%arg17 : memref<!tpu.dma_semaphore, #tpu.memory_space<semaphore_mem>>)
        %add3A_1366 = arith.constant 2 : i32
        %add3A_1367 = arith.addi %mul3A_168, %add3A_1366 : i32
        %jit3A_1368 = arith.constant 50 : i32
        %eq3A_1369 = arith.constant 0 : i32
        %eq3A_1370 = arith.cmpi eq, %jit3A_1368, %eq3A_1369 : i32
        %jit3A_1371 = arith.constant 1 : i32
        %select_n3A_1372 = arith.select %eq3A_1370, %jit3A_1371, %jit3A_1368 : i32
        %rem3A_1373 = arith.remsi %add3A_1367, %select_n3A_1372 : i32
        %ne3A_1374 = arith.constant 0 : i32
        %ne3A_1375 = arith.cmpi ne, %rem3A_1373, %ne3A_1374 : i32
        %lt3A_1376 = arith.constant 0 : i32
        %lt3A_1377 = arith.cmpi slt, %rem3A_1373, %lt3A_1376 : i32
        %lt3A_1378 = arith.constant 0 : i32
        %lt3A_1379 = arith.cmpi slt, %select_n3A_1372, %lt3A_1378 : i32
        %ne3A_1380 = arith.xori %lt3A_1377, %lt3A_1379 : i1
        %and3A_1381 = arith.andi %ne3A_1380, %ne3A_1375 : i1
        %add3A_1382 = arith.addi %rem3A_1373, %select_n3A_1372 : i32
        %select_n3A_1383 = arith.select %and3A_1381, %add3A_1382, %rem3A_1373 : i32
        %jit3A_1384 = arith.constant 50 : i32
        %div3A_1385 = arith.divsi %add3A_1367, %jit3A_1384 : i32
        %sign3A_1386 = arith.constant 0 : i32
        %sign3A_1387 = arith.cmpi sgt, %add3A_1367, %sign3A_1386 : i32
        %sign3A_1388 = arith.extui %sign3A_1387 : i1 to i32
        %sign3A_1389 = arith.constant 0 : i32
        %sign3A_1390 = arith.cmpi slt, %add3A_1367, %sign3A_1389 : i32
        %sign3A_1391 = arith.extui %sign3A_1390 : i1 to i32
        %sign3A_1392 = arith.subi %sign3A_1388, %sign3A_1391 : i32
        %sign3A_1393 = arith.constant 0 : i32
        %sign3A_1394 = arith.cmpi sgt, %jit3A_1384, %sign3A_1393 : i32
        %sign3A_1395 = arith.extui %sign3A_1394 : i1 to i32
        %sign3A_1396 = arith.constant 0 : i32
        %sign3A_1397 = arith.cmpi slt, %jit3A_1384, %sign3A_1396 : i32
        %sign3A_1398 = arith.extui %sign3A_1397 : i1 to i32
        %sign3A_1399 = arith.subi %sign3A_1395, %sign3A_1398 : i32
        %ne3A_1400 = arith.cmpi ne, %sign3A_1392, %sign3A_1399 : i32
        %rem3A_1401 = arith.remsi %add3A_1367, %jit3A_1384 : i32
        %ne3A_1402 = arith.constant 0 : i32
        %ne3A_1403 = arith.cmpi ne, %rem3A_1401, %ne3A_1402 : i32
        %and3A_1404 = arith.andi %ne3A_1400, %ne3A_1403 : i1
        %sub3A_1405 = arith.constant 1 : i32
        %sub3A_1406 = arith.subi %div3A_1385, %sub3A_1405 : i32
        %select_n3A_1407 = arith.select %and3A_1404, %sub3A_1406, %div3A_1385 : i32
        %mul3A_1408 = arith.constant 64 : i32
        %mul3A_1409 = arith.muli %select_n3A_1407, %mul3A_1408 : i32
        %add3A_1410 = arith.addi %mul3A_2, %mul3A_1409 : i32
        %dma_wait3A_1411 = arith.constant 0 : i32
        %dma_wait3A_1412 = tpu.memref_slice %arg4[%select_n3A_1383, %add3A_1410, %dma_wait3A_1411] : memref<50x4096x128xf32, #tpu.memory_space<hbm>> -> memref<1x64x128xf32, #tpu.memory_space<hbm>>
        %dma_wait3A_1413 = tpu.memref_squeeze %dma_wait3A_1412 : memref<1x64x128xf32, #tpu.memory_space<hbm>> -> memref<64x128xf32, #tpu.memory_space<hbm>>
        %dma_wait3A_1414 = arith.constant 0 : i32
        %dma_wait3A_1415 = tpu.memref_slice %arg4[%select_n3A_1383, %add3A_1410, %dma_wait3A_1414] : memref<50x4096x128xf32, #tpu.memory_space<hbm>> -> memref<1x64x128xf32, #tpu.memory_space<hbm>>
        %dma_wait3A_1416 = tpu.memref_squeeze %dma_wait3A_1415 : memref<1x64x128xf32, #tpu.memory_space<hbm>> -> memref<64x128xf32, #tpu.memory_space<hbm>>
        tpu.wait_dma2 semaphore(%arg28 : memref<!tpu.dma_semaphore, #tpu.memory_space<semaphore_mem>>) src(%arg8 : memref<64x128xf32, #tpu.memory_space<vmem>>) dst(%dma_wait3A_1416 : memref<64x128xf32, #tpu.memory_space<hbm>>)
        %add3A_1417 = arith.constant 10 : i32
        %add3A_1418 = arith.addi %mul3A_168, %add3A_1417 : i32
        %add3A_1419 = arith.constant 2 : i32
        %add3A_1420 = arith.addi %add3A_1418, %add3A_1419 : i32
        %jit3A_1421 = arith.constant 50 : i32
        %eq3A_1422 = arith.constant 0 : i32
        %eq3A_1423 = arith.cmpi eq, %jit3A_1421, %eq3A_1422 : i32
        %jit3A_1424 = arith.constant 1 : i32
        %select_n3A_1425 = arith.select %eq3A_1423, %jit3A_1424, %jit3A_1421 : i32
        %rem3A_1426 = arith.remsi %add3A_1420, %select_n3A_1425 : i32
        %ne3A_1427 = arith.constant 0 : i32
        %ne3A_1428 = arith.cmpi ne, %rem3A_1426, %ne3A_1427 : i32
        %lt3A_1429 = arith.constant 0 : i32
        %lt3A_1430 = arith.cmpi slt, %rem3A_1426, %lt3A_1429 : i32
        %lt3A_1431 = arith.constant 0 : i32
        %lt3A_1432 = arith.cmpi slt, %select_n3A_1425, %lt3A_1431 : i32
        %ne3A_1433 = arith.xori %lt3A_1430, %lt3A_1432 : i1
        %and3A_1434 = arith.andi %ne3A_1433, %ne3A_1428 : i1
        %add3A_1435 = arith.addi %rem3A_1426, %select_n3A_1425 : i32
        %select_n3A_1436 = arith.select %and3A_1434, %add3A_1435, %rem3A_1426 : i32
        %jit3A_1437 = arith.constant 50 : i32
        %div3A_1438 = arith.divsi %add3A_1420, %jit3A_1437 : i32
        %sign3A_1439 = arith.constant 0 : i32
        %sign3A_1440 = arith.cmpi sgt, %add3A_1420, %sign3A_1439 : i32
        %sign3A_1441 = arith.extui %sign3A_1440 : i1 to i32
        %sign3A_1442 = arith.constant 0 : i32
        %sign3A_1443 = arith.cmpi slt, %add3A_1420, %sign3A_1442 : i32
        %sign3A_1444 = arith.extui %sign3A_1443 : i1 to i32
        %sign3A_1445 = arith.subi %sign3A_1441, %sign3A_1444 : i32
        %sign3A_1446 = arith.constant 0 : i32
        %sign3A_1447 = arith.cmpi sgt, %jit3A_1437, %sign3A_1446 : i32
        %sign3A_1448 = arith.extui %sign3A_1447 : i1 to i32
        %sign3A_1449 = arith.constant 0 : i32
        %sign3A_1450 = arith.cmpi slt, %jit3A_1437, %sign3A_1449 : i32
        %sign3A_1451 = arith.extui %sign3A_1450 : i1 to i32
        %sign3A_1452 = arith.subi %sign3A_1448, %sign3A_1451 : i32
        %ne3A_1453 = arith.cmpi ne, %sign3A_1445, %sign3A_1452 : i32
        %rem3A_1454 = arith.remsi %add3A_1420, %jit3A_1437 : i32
        %ne3A_1455 = arith.constant 0 : i32
        %ne3A_1456 = arith.cmpi ne, %rem3A_1454, %ne3A_1455 : i32
        %and3A_1457 = arith.andi %ne3A_1453, %ne3A_1456 : i1
        %sub3A_1458 = arith.constant 1 : i32
        %sub3A_1459 = arith.subi %div3A_1438, %sub3A_1458 : i32
        %select_n3A_1460 = arith.select %and3A_1457, %sub3A_1459, %div3A_1438 : i32
        %mul3A_1461 = arith.constant 64 : i32
        %mul3A_1462 = arith.muli %select_n3A_1460, %mul3A_1461 : i32
        %dma_start3A_1463 = tpu.memref_slice %arg5[%select_n3A_1436, %mul3A_1462] : memref<50x128xi32, #tpu.memory_space<vmem>> -> memref<1x64xi32, #tpu.memory_space<vmem>>
        %dma_start3A_1464 = tpu.memref_squeeze %dma_start3A_1463 : memref<1x64xi32, #tpu.memory_space<vmem>> -> memref<64xi32, #tpu.memory_space<vmem>>
        %dma_start3A_1465 = arith.constant 0 : i32
        %dma_start3A_1466 = arith.constant 0 : i32
        %dma_start3A_1467 = tpu.memref_slice %arg3[%dma_start3A_1465, %dma_start3A_1466] : memref<100000x128xf32, #tpu.memory_space<hbm>> -> memref<100000x128xf32, #tpu.memory_space<hbm>>
        tpu.enqueue_indirect_dma source(%dma_start3A_1467 : memref<100000x128xf32, #tpu.memory_space<hbm>>) target(%arg8 : memref<64x128xf32, #tpu.memory_space<vmem>>) offsets(%dma_start3A_1464 : memref<64xi32, #tpu.memory_space<vmem>>) semaphore(%arg18 : memref<!tpu.dma_semaphore, #tpu.memory_space<semaphore_mem>>)
        %add3A_1468 = arith.constant 3 : i32
        %add3A_1469 = arith.addi %mul3A_168, %add3A_1468 : i32
        %jit3A_1470 = arith.constant 50 : i32
        %eq3A_1471 = arith.constant 0 : i32
        %eq3A_1472 = arith.cmpi eq, %jit3A_1470, %eq3A_1471 : i32
        %jit3A_1473 = arith.constant 1 : i32
        %select_n3A_1474 = arith.select %eq3A_1472, %jit3A_1473, %jit3A_1470 : i32
        %rem3A_1475 = arith.remsi %add3A_1469, %select_n3A_1474 : i32
        %ne3A_1476 = arith.constant 0 : i32
        %ne3A_1477 = arith.cmpi ne, %rem3A_1475, %ne3A_1476 : i32
        %lt3A_1478 = arith.constant 0 : i32
        %lt3A_1479 = arith.cmpi slt, %rem3A_1475, %lt3A_1478 : i32
        %lt3A_1480 = arith.constant 0 : i32
        %lt3A_1481 = arith.cmpi slt, %select_n3A_1474, %lt3A_1480 : i32
        %ne3A_1482 = arith.xori %lt3A_1479, %lt3A_1481 : i1
        %and3A_1483 = arith.andi %ne3A_1482, %ne3A_1477 : i1
        %add3A_1484 = arith.addi %rem3A_1475, %select_n3A_1474 : i32
        %select_n3A_1485 = arith.select %and3A_1483, %add3A_1484, %rem3A_1475 : i32
        %jit3A_1486 = arith.constant 50 : i32
        %div3A_1487 = arith.divsi %add3A_1469, %jit3A_1486 : i32
        %sign3A_1488 = arith.constant 0 : i32
        %sign3A_1489 = arith.cmpi sgt, %add3A_1469, %sign3A_1488 : i32
        %sign3A_1490 = arith.extui %sign3A_1489 : i1 to i32
        %sign3A_1491 = arith.constant 0 : i32
        %sign3A_1492 = arith.cmpi slt, %add3A_1469, %sign3A_1491 : i32
        %sign3A_1493 = arith.extui %sign3A_1492 : i1 to i32
        %sign3A_1494 = arith.subi %sign3A_1490, %sign3A_1493 : i32
        %sign3A_1495 = arith.constant 0 : i32
        %sign3A_1496 = arith.cmpi sgt, %jit3A_1486, %sign3A_1495 : i32
        %sign3A_1497 = arith.extui %sign3A_1496 : i1 to i32
        %sign3A_1498 = arith.constant 0 : i32
        %sign3A_1499 = arith.cmpi slt, %jit3A_1486, %sign3A_1498 : i32
        %sign3A_1500 = arith.extui %sign3A_1499 : i1 to i32
        %sign3A_1501 = arith.subi %sign3A_1497, %sign3A_1500 : i32
        %ne3A_1502 = arith.cmpi ne, %sign3A_1494, %sign3A_1501 : i32
        %rem3A_1503 = arith.remsi %add3A_1469, %jit3A_1486 : i32
        %ne3A_1504 = arith.constant 0 : i32
        %ne3A_1505 = arith.cmpi ne, %rem3A_1503, %ne3A_1504 : i32
        %and3A_1506 = arith.andi %ne3A_1502, %ne3A_1505 : i1
        %sub3A_1507 = arith.constant 1 : i32
        %sub3A_1508 = arith.subi %div3A_1487, %sub3A_1507 : i32
        %select_n3A_1509 = arith.select %and3A_1506, %sub3A_1508, %div3A_1487 : i32
        %mul3A_1510 = arith.constant 64 : i32
        %mul3A_1511 = arith.muli %select_n3A_1509, %mul3A_1510 : i32
        %add3A_1512 = arith.addi %mul3A_2, %mul3A_1511 : i32
        %dma_wait3A_1513 = arith.constant 0 : i32
        %dma_wait3A_1514 = tpu.memref_slice %arg4[%select_n3A_1485, %add3A_1512, %dma_wait3A_1513] : memref<50x4096x128xf32, #tpu.memory_space<hbm>> -> memref<1x64x128xf32, #tpu.memory_space<hbm>>
        %dma_wait3A_1515 = tpu.memref_squeeze %dma_wait3A_1514 : memref<1x64x128xf32, #tpu.memory_space<hbm>> -> memref<64x128xf32, #tpu.memory_space<hbm>>
        %dma_wait3A_1516 = arith.constant 0 : i32
        %dma_wait3A_1517 = tpu.memref_slice %arg4[%select_n3A_1485, %add3A_1512, %dma_wait3A_1516] : memref<50x4096x128xf32, #tpu.memory_space<hbm>> -> memref<1x64x128xf32, #tpu.memory_space<hbm>>
        %dma_wait3A_1518 = tpu.memref_squeeze %dma_wait3A_1517 : memref<1x64x128xf32, #tpu.memory_space<hbm>> -> memref<64x128xf32, #tpu.memory_space<hbm>>
        tpu.wait_dma2 semaphore(%arg29 : memref<!tpu.dma_semaphore, #tpu.memory_space<semaphore_mem>>) src(%arg9 : memref<64x128xf32, #tpu.memory_space<vmem>>) dst(%dma_wait3A_1518 : memref<64x128xf32, #tpu.memory_space<hbm>>)
        %add3A_1519 = arith.constant 10 : i32
        %add3A_1520 = arith.addi %mul3A_168, %add3A_1519 : i32
        %add3A_1521 = arith.constant 3 : i32
        %add3A_1522 = arith.addi %add3A_1520, %add3A_1521 : i32
        %jit3A_1523 = arith.constant 50 : i32
        %eq3A_1524 = arith.constant 0 : i32
        %eq3A_1525 = arith.cmpi eq, %jit3A_1523, %eq3A_1524 : i32
        %jit3A_1526 = arith.constant 1 : i32
        %select_n3A_1527 = arith.select %eq3A_1525, %jit3A_1526, %jit3A_1523 : i32
        %rem3A_1528 = arith.remsi %add3A_1522, %select_n3A_1527 : i32
        %ne3A_1529 = arith.constant 0 : i32
        %ne3A_1530 = arith.cmpi ne, %rem3A_1528, %ne3A_1529 : i32
        %lt3A_1531 = arith.constant 0 : i32
        %lt3A_1532 = arith.cmpi slt, %rem3A_1528, %lt3A_1531 : i32
        %lt3A_1533 = arith.constant 0 : i32
        %lt3A_1534 = arith.cmpi slt, %select_n3A_1527, %lt3A_1533 : i32
        %ne3A_1535 = arith.xori %lt3A_1532, %lt3A_1534 : i1
        %and3A_1536 = arith.andi %ne3A_1535, %ne3A_1530 : i1
        %add3A_1537 = arith.addi %rem3A_1528, %select_n3A_1527 : i32
        %select_n3A_1538 = arith.select %and3A_1536, %add3A_1537, %rem3A_1528 : i32
        %jit3A_1539 = arith.constant 50 : i32
        %div3A_1540 = arith.divsi %add3A_1522, %jit3A_1539 : i32
        %sign3A_1541 = arith.constant 0 : i32
        %sign3A_1542 = arith.cmpi sgt, %add3A_1522, %sign3A_1541 : i32
        %sign3A_1543 = arith.extui %sign3A_1542 : i1 to i32
        %sign3A_1544 = arith.constant 0 : i32
        %sign3A_1545 = arith.cmpi slt, %add3A_1522, %sign3A_1544 : i32
        %sign3A_1546 = arith.extui %sign3A_1545 : i1 to i32
        %sign3A_1547 = arith.subi %sign3A_1543, %sign3A_1546 : i32
        %sign3A_1548 = arith.constant 0 : i32
        %sign3A_1549 = arith.cmpi sgt, %jit3A_1539, %sign3A_1548 : i32
        %sign3A_1550 = arith.extui %sign3A_1549 : i1 to i32
        %sign3A_1551 = arith.constant 0 : i32
        %sign3A_1552 = arith.cmpi slt, %jit3A_1539, %sign3A_1551 : i32
        %sign3A_1553 = arith.extui %sign3A_1552 : i1 to i32
        %sign3A_1554 = arith.subi %sign3A_1550, %sign3A_1553 : i32
        %ne3A_1555 = arith.cmpi ne, %sign3A_1547, %sign3A_1554 : i32
        %rem3A_1556 = arith.remsi %add3A_1522, %jit3A_1539 : i32
        %ne3A_1557 = arith.constant 0 : i32
        %ne3A_1558 = arith.cmpi ne, %rem3A_1556, %ne3A_1557 : i32
        %and3A_1559 = arith.andi %ne3A_1555, %ne3A_1558 : i1
        %sub3A_1560 = arith.constant 1 : i32
        %sub3A_1561 = arith.subi %div3A_1540, %sub3A_1560 : i32
        %select_n3A_1562 = arith.select %and3A_1559, %sub3A_1561, %div3A_1540 : i32
        %mul3A_1563 = arith.constant 64 : i32
        %mul3A_1564 = arith.muli %select_n3A_1562, %mul3A_1563 : i32
        %dma_start3A_1565 = tpu.memref_slice %arg5[%select_n3A_1538, %mul3A_1564] : memref<50x128xi32, #tpu.memory_space<vmem>> -> memref<1x64xi32, #tpu.memory_space<vmem>>
        %dma_start3A_1566 = tpu.memref_squeeze %dma_start3A_1565 : memref<1x64xi32, #tpu.memory_space<vmem>> -> memref<64xi32, #tpu.memory_space<vmem>>
        %dma_start3A_1567 = arith.constant 0 : i32
        %dma_start3A_1568 = arith.constant 0 : i32
        %dma_start3A_1569 = tpu.memref_slice %arg3[%dma_start3A_1567, %dma_start3A_1568] : memref<100000x128xf32, #tpu.memory_space<hbm>> -> memref<100000x128xf32, #tpu.memory_space<hbm>>
        tpu.enqueue_indirect_dma source(%dma_start3A_1569 : memref<100000x128xf32, #tpu.memory_space<hbm>>) target(%arg9 : memref<64x128xf32, #tpu.memory_space<vmem>>) offsets(%dma_start3A_1566 : memref<64xi32, #tpu.memory_space<vmem>>) semaphore(%arg19 : memref<!tpu.dma_semaphore, #tpu.memory_space<semaphore_mem>>)
        %add3A_1570 = arith.constant 4 : i32
        %add3A_1571 = arith.addi %mul3A_168, %add3A_1570 : i32
        %jit3A_1572 = arith.constant 50 : i32
        %eq3A_1573 = arith.constant 0 : i32
        %eq3A_1574 = arith.cmpi eq, %jit3A_1572, %eq3A_1573 : i32
        %jit3A_1575 = arith.constant 1 : i32
        %select_n3A_1576 = arith.select %eq3A_1574, %jit3A_1575, %jit3A_1572 : i32
        %rem3A_1577 = arith.remsi %add3A_1571, %select_n3A_1576 : i32
        %ne3A_1578 = arith.constant 0 : i32
        %ne3A_1579 = arith.cmpi ne, %rem3A_1577, %ne3A_1578 : i32
        %lt3A_1580 = arith.constant 0 : i32
        %lt3A_1581 = arith.cmpi slt, %rem3A_1577, %lt3A_1580 : i32
        %lt3A_1582 = arith.constant 0 : i32
        %lt3A_1583 = arith.cmpi slt, %select_n3A_1576, %lt3A_1582 : i32
        %ne3A_1584 = arith.xori %lt3A_1581, %lt3A_1583 : i1
        %and3A_1585 = arith.andi %ne3A_1584, %ne3A_1579 : i1
        %add3A_1586 = arith.addi %rem3A_1577, %select_n3A_1576 : i32
        %select_n3A_1587 = arith.select %and3A_1585, %add3A_1586, %rem3A_1577 : i32
        %jit3A_1588 = arith.constant 50 : i32
        %div3A_1589 = arith.divsi %add3A_1571, %jit3A_1588 : i32
        %sign3A_1590 = arith.constant 0 : i32
        %sign3A_1591 = arith.cmpi sgt, %add3A_1571, %sign3A_1590 : i32
        %sign3A_1592 = arith.extui %sign3A_1591 : i1 to i32
        %sign3A_1593 = arith.constant 0 : i32
        %sign3A_1594 = arith.cmpi slt, %add3A_1571, %sign3A_1593 : i32
        %sign3A_1595 = arith.extui %sign3A_1594 : i1 to i32
        %sign3A_1596 = arith.subi %sign3A_1592, %sign3A_1595 : i32
        %sign3A_1597 = arith.constant 0 : i32
        %sign3A_1598 = arith.cmpi sgt, %jit3A_1588, %sign3A_1597 : i32
        %sign3A_1599 = arith.extui %sign3A_1598 : i1 to i32
        %sign3A_1600 = arith.constant 0 : i32
        %sign3A_1601 = arith.cmpi slt, %jit3A_1588, %sign3A_1600 : i32
        %sign3A_1602 = arith.extui %sign3A_1601 : i1 to i32
        %sign3A_1603 = arith.subi %sign3A_1599, %sign3A_1602 : i32
        %ne3A_1604 = arith.cmpi ne, %sign3A_1596, %sign3A_1603 : i32
        %rem3A_1605 = arith.remsi %add3A_1571, %jit3A_1588 : i32
        %ne3A_1606 = arith.constant 0 : i32
        %ne3A_1607 = arith.cmpi ne, %rem3A_1605, %ne3A_1606 : i32
        %and3A_1608 = arith.andi %ne3A_1604, %ne3A_1607 : i1
        %sub3A_1609 = arith.constant 1 : i32
        %sub3A_1610 = arith.subi %div3A_1589, %sub3A_1609 : i32
        %select_n3A_1611 = arith.select %and3A_1608, %sub3A_1610, %div3A_1589 : i32
        %mul3A_1612 = arith.constant 64 : i32
        %mul3A_1613 = arith.muli %select_n3A_1611, %mul3A_1612 : i32
        %add3A_1614 = arith.addi %mul3A_2, %mul3A_1613 : i32
        %dma_wait3A_1615 = arith.constant 0 : i32
        %dma_wait3A_1616 = tpu.memref_slice %arg4[%select_n3A_1587, %add3A_1614, %dma_wait3A_1615] : memref<50x4096x128xf32, #tpu.memory_space<hbm>> -> memref<1x64x128xf32, #tpu.memory_space<hbm>>
        %dma_wait3A_1617 = tpu.memref_squeeze %dma_wait3A_1616 : memref<1x64x128xf32, #tpu.memory_space<hbm>> -> memref<64x128xf32, #tpu.memory_space<hbm>>
        %dma_wait3A_1618 = arith.constant 0 : i32
        %dma_wait3A_1619 = tpu.memref_slice %arg4[%select_n3A_1587, %add3A_1614, %dma_wait3A_1618] : memref<50x4096x128xf32, #tpu.memory_space<hbm>> -> memref<1x64x128xf32, #tpu.memory_space<hbm>>
        %dma_wait3A_1620 = tpu.memref_squeeze %dma_wait3A_1619 : memref<1x64x128xf32, #tpu.memory_space<hbm>> -> memref<64x128xf32, #tpu.memory_space<hbm>>
        tpu.wait_dma2 semaphore(%arg30 : memref<!tpu.dma_semaphore, #tpu.memory_space<semaphore_mem>>) src(%arg10 : memref<64x128xf32, #tpu.memory_space<vmem>>) dst(%dma_wait3A_1620 : memref<64x128xf32, #tpu.memory_space<hbm>>)
        %add3A_1621 = arith.constant 10 : i32
        %add3A_1622 = arith.addi %mul3A_168, %add3A_1621 : i32
        %add3A_1623 = arith.constant 4 : i32
        %add3A_1624 = arith.addi %add3A_1622, %add3A_1623 : i32
        %jit3A_1625 = arith.constant 50 : i32
        %eq3A_1626 = arith.constant 0 : i32
        %eq3A_1627 = arith.cmpi eq, %jit3A_1625, %eq3A_1626 : i32
        %jit3A_1628 = arith.constant 1 : i32
        %select_n3A_1629 = arith.select %eq3A_1627, %jit3A_1628, %jit3A_1625 : i32
        %rem3A_1630 = arith.remsi %add3A_1624, %select_n3A_1629 : i32
        %ne3A_1631 = arith.constant 0 : i32
        %ne3A_1632 = arith.cmpi ne, %rem3A_1630, %ne3A_1631 : i32
        %lt3A_1633 = arith.constant 0 : i32
        %lt3A_1634 = arith.cmpi slt, %rem3A_1630, %lt3A_1633 : i32
        %lt3A_1635 = arith.constant 0 : i32
        %lt3A_1636 = arith.cmpi slt, %select_n3A_1629, %lt3A_1635 : i32
        %ne3A_1637 = arith.xori %lt3A_1634, %lt3A_1636 : i1
        %and3A_1638 = arith.andi %ne3A_1637, %ne3A_1632 : i1
        %add3A_1639 = arith.addi %rem3A_1630, %select_n3A_1629 : i32
        %select_n3A_1640 = arith.select %and3A_1638, %add3A_1639, %rem3A_1630 : i32
        %jit3A_1641 = arith.constant 50 : i32
        %div3A_1642 = arith.divsi %add3A_1624, %jit3A_1641 : i32
        %sign3A_1643 = arith.constant 0 : i32
        %sign3A_1644 = arith.cmpi sgt, %add3A_1624, %sign3A_1643 : i32
        %sign3A_1645 = arith.extui %sign3A_1644 : i1 to i32
        %sign3A_1646 = arith.constant 0 : i32
        %sign3A_1647 = arith.cmpi slt, %add3A_1624, %sign3A_1646 : i32
        %sign3A_1648 = arith.extui %sign3A_1647 : i1 to i32
        %sign3A_1649 = arith.subi %sign3A_1645, %sign3A_1648 : i32
        %sign3A_1650 = arith.constant 0 : i32
        %sign3A_1651 = arith.cmpi sgt, %jit3A_1641, %sign3A_1650 : i32
        %sign3A_1652 = arith.extui %sign3A_1651 : i1 to i32
        %sign3A_1653 = arith.constant 0 : i32
        %sign3A_1654 = arith.cmpi slt, %jit3A_1641, %sign3A_1653 : i32
        %sign3A_1655 = arith.extui %sign3A_1654 : i1 to i32
        %sign3A_1656 = arith.subi %sign3A_1652, %sign3A_1655 : i32
        %ne3A_1657 = arith.cmpi ne, %sign3A_1649, %sign3A_1656 : i32
        %rem3A_1658 = arith.remsi %add3A_1624, %jit3A_1641 : i32
        %ne3A_1659 = arith.constant 0 : i32
        %ne3A_1660 = arith.cmpi ne, %rem3A_1658, %ne3A_1659 : i32
        %and3A_1661 = arith.andi %ne3A_1657, %ne3A_1660 : i1
        %sub3A_1662 = arith.constant 1 : i32
        %sub3A_1663 = arith.subi %div3A_1642, %sub3A_1662 : i32
        %select_n3A_1664 = arith.select %and3A_1661, %sub3A_1663, %div3A_1642 : i32
        %mul3A_1665 = arith.constant 64 : i32
        %mul3A_1666 = arith.muli %select_n3A_1664, %mul3A_1665 : i32
        %dma_start3A_1667 = tpu.memref_slice %arg5[%select_n3A_1640, %mul3A_1666] : memref<50x128xi32, #tpu.memory_space<vmem>> -> memref<1x64xi32, #tpu.memory_space<vmem>>
        %dma_start3A_1668 = tpu.memref_squeeze %dma_start3A_1667 : memref<1x64xi32, #tpu.memory_space<vmem>> -> memref<64xi32, #tpu.memory_space<vmem>>
        %dma_start3A_1669 = arith.constant 0 : i32
        %dma_start3A_1670 = arith.constant 0 : i32
        %dma_start3A_1671 = tpu.memref_slice %arg3[%dma_start3A_1669, %dma_start3A_1670] : memref<100000x128xf32, #tpu.memory_space<hbm>> -> memref<100000x128xf32, #tpu.memory_space<hbm>>
        tpu.enqueue_indirect_dma source(%dma_start3A_1671 : memref<100000x128xf32, #tpu.memory_space<hbm>>) target(%arg10 : memref<64x128xf32, #tpu.memory_space<vmem>>) offsets(%dma_start3A_1668 : memref<64xi32, #tpu.memory_space<vmem>>) semaphore(%arg20 : memref<!tpu.dma_semaphore, #tpu.memory_space<semaphore_mem>>)
        %add3A_1672 = arith.constant 5 : i32
        %add3A_1673 = arith.addi %mul3A_168, %add3A_1672 : i32
        %jit3A_1674 = arith.constant 50 : i32
        %eq3A_1675 = arith.constant 0 : i32
        %eq3A_1676 = arith.cmpi eq, %jit3A_1674, %eq3A_1675 : i32
        %jit3A_1677 = arith.constant 1 : i32
        %select_n3A_1678 = arith.select %eq3A_1676, %jit3A_1677, %jit3A_1674 : i32
        %rem3A_1679 = arith.remsi %add3A_1673, %select_n3A_1678 : i32
        %ne3A_1680 = arith.constant 0 : i32
        %ne3A_1681 = arith.cmpi ne, %rem3A_1679, %ne3A_1680 : i32
        %lt3A_1682 = arith.constant 0 : i32
        %lt3A_1683 = arith.cmpi slt, %rem3A_1679, %lt3A_1682 : i32
        %lt3A_1684 = arith.constant 0 : i32
        %lt3A_1685 = arith.cmpi slt, %select_n3A_1678, %lt3A_1684 : i32
        %ne3A_1686 = arith.xori %lt3A_1683, %lt3A_1685 : i1
        %and3A_1687 = arith.andi %ne3A_1686, %ne3A_1681 : i1
        %add3A_1688 = arith.addi %rem3A_1679, %select_n3A_1678 : i32
        %select_n3A_1689 = arith.select %and3A_1687, %add3A_1688, %rem3A_1679 : i32
        %jit3A_1690 = arith.constant 50 : i32
        %div3A_1691 = arith.divsi %add3A_1673, %jit3A_1690 : i32
        %sign3A_1692 = arith.constant 0 : i32
        %sign3A_1693 = arith.cmpi sgt, %add3A_1673, %sign3A_1692 : i32
        %sign3A_1694 = arith.extui %sign3A_1693 : i1 to i32
        %sign3A_1695 = arith.constant 0 : i32
        %sign3A_1696 = arith.cmpi slt, %add3A_1673, %sign3A_1695 : i32
        %sign3A_1697 = arith.extui %sign3A_1696 : i1 to i32
        %sign3A_1698 = arith.subi %sign3A_1694, %sign3A_1697 : i32
        %sign3A_1699 = arith.constant 0 : i32
        %sign3A_1700 = arith.cmpi sgt, %jit3A_1690, %sign3A_1699 : i32
        %sign3A_1701 = arith.extui %sign3A_1700 : i1 to i32
        %sign3A_1702 = arith.constant 0 : i32
        %sign3A_1703 = arith.cmpi slt, %jit3A_1690, %sign3A_1702 : i32
        %sign3A_1704 = arith.extui %sign3A_1703 : i1 to i32
        %sign3A_1705 = arith.subi %sign3A_1701, %sign3A_1704 : i32
        %ne3A_1706 = arith.cmpi ne, %sign3A_1698, %sign3A_1705 : i32
        %rem3A_1707 = arith.remsi %add3A_1673, %jit3A_1690 : i32
        %ne3A_1708 = arith.constant 0 : i32
        %ne3A_1709 = arith.cmpi ne, %rem3A_1707, %ne3A_1708 : i32
        %and3A_1710 = arith.andi %ne3A_1706, %ne3A_1709 : i1
        %sub3A_1711 = arith.constant 1 : i32
        %sub3A_1712 = arith.subi %div3A_1691, %sub3A_1711 : i32
        %select_n3A_1713 = arith.select %and3A_1710, %sub3A_1712, %div3A_1691 : i32
        %mul3A_1714 = arith.constant 64 : i32
        %mul3A_1715 = arith.muli %select_n3A_1713, %mul3A_1714 : i32
        %add3A_1716 = arith.addi %mul3A_2, %mul3A_1715 : i32
        %dma_wait3A_1717 = arith.constant 0 : i32
        %dma_wait3A_1718 = tpu.memref_slice %arg4[%select_n3A_1689, %add3A_1716, %dma_wait3A_1717] : memref<50x4096x128xf32, #tpu.memory_space<hbm>> -> memref<1x64x128xf32, #tpu.memory_space<hbm>>
        %dma_wait3A_1719 = tpu.memref_squeeze %dma_wait3A_1718 : memref<1x64x128xf32, #tpu.memory_space<hbm>> -> memref<64x128xf32, #tpu.memory_space<hbm>>
        %dma_wait3A_1720 = arith.constant 0 : i32
        %dma_wait3A_1721 = tpu.memref_slice %arg4[%select_n3A_1689, %add3A_1716, %dma_wait3A_1720] : memref<50x4096x128xf32, #tpu.memory_space<hbm>> -> memref<1x64x128xf32, #tpu.memory_space<hbm>>
        %dma_wait3A_1722 = tpu.memref_squeeze %dma_wait3A_1721 : memref<1x64x128xf32, #tpu.memory_space<hbm>> -> memref<64x128xf32, #tpu.memory_space<hbm>>
        tpu.wait_dma2 semaphore(%arg31 : memref<!tpu.dma_semaphore, #tpu.memory_space<semaphore_mem>>) src(%arg11 : memref<64x128xf32, #tpu.memory_space<vmem>>) dst(%dma_wait3A_1722 : memref<64x128xf32, #tpu.memory_space<hbm>>)
        %add3A_1723 = arith.constant 10 : i32
        %add3A_1724 = arith.addi %mul3A_168, %add3A_1723 : i32
        %add3A_1725 = arith.constant 5 : i32
        %add3A_1726 = arith.addi %add3A_1724, %add3A_1725 : i32
        %jit3A_1727 = arith.constant 50 : i32
        %eq3A_1728 = arith.constant 0 : i32
        %eq3A_1729 = arith.cmpi eq, %jit3A_1727, %eq3A_1728 : i32
        %jit3A_1730 = arith.constant 1 : i32
        %select_n3A_1731 = arith.select %eq3A_1729, %jit3A_1730, %jit3A_1727 : i32
        %rem3A_1732 = arith.remsi %add3A_1726, %select_n3A_1731 : i32
        %ne3A_1733 = arith.constant 0 : i32
        %ne3A_1734 = arith.cmpi ne, %rem3A_1732, %ne3A_1733 : i32
        %lt3A_1735 = arith.constant 0 : i32
        %lt3A_1736 = arith.cmpi slt, %rem3A_1732, %lt3A_1735 : i32
        %lt3A_1737 = arith.constant 0 : i32
        %lt3A_1738 = arith.cmpi slt, %select_n3A_1731, %lt3A_1737 : i32
        %ne3A_1739 = arith.xori %lt3A_1736, %lt3A_1738 : i1
        %and3A_1740 = arith.andi %ne3A_1739, %ne3A_1734 : i1
        %add3A_1741 = arith.addi %rem3A_1732, %select_n3A_1731 : i32
        %select_n3A_1742 = arith.select %and3A_1740, %add3A_1741, %rem3A_1732 : i32
        %jit3A_1743 = arith.constant 50 : i32
        %div3A_1744 = arith.divsi %add3A_1726, %jit3A_1743 : i32
        %sign3A_1745 = arith.constant 0 : i32
        %sign3A_1746 = arith.cmpi sgt, %add3A_1726, %sign3A_1745 : i32
        %sign3A_1747 = arith.extui %sign3A_1746 : i1 to i32
        %sign3A_1748 = arith.constant 0 : i32
        %sign3A_1749 = arith.cmpi slt, %add3A_1726, %sign3A_1748 : i32
        %sign3A_1750 = arith.extui %sign3A_1749 : i1 to i32
        %sign3A_1751 = arith.subi %sign3A_1747, %sign3A_1750 : i32
        %sign3A_1752 = arith.constant 0 : i32
        %sign3A_1753 = arith.cmpi sgt, %jit3A_1743, %sign3A_1752 : i32
        %sign3A_1754 = arith.extui %sign3A_1753 : i1 to i32
        %sign3A_1755 = arith.constant 0 : i32
        %sign3A_1756 = arith.cmpi slt, %jit3A_1743, %sign3A_1755 : i32
        %sign3A_1757 = arith.extui %sign3A_1756 : i1 to i32
        %sign3A_1758 = arith.subi %sign3A_1754, %sign3A_1757 : i32
        %ne3A_1759 = arith.cmpi ne, %sign3A_1751, %sign3A_1758 : i32
        %rem3A_1760 = arith.remsi %add3A_1726, %jit3A_1743 : i32
        %ne3A_1761 = arith.constant 0 : i32
        %ne3A_1762 = arith.cmpi ne, %rem3A_1760, %ne3A_1761 : i32
        %and3A_1763 = arith.andi %ne3A_1759, %ne3A_1762 : i1
        %sub3A_1764 = arith.constant 1 : i32
        %sub3A_1765 = arith.subi %div3A_1744, %sub3A_1764 : i32
        %select_n3A_1766 = arith.select %and3A_1763, %sub3A_1765, %div3A_1744 : i32
        %mul3A_1767 = arith.constant 64 : i32
        %mul3A_1768 = arith.muli %select_n3A_1766, %mul3A_1767 : i32
        %dma_start3A_1769 = tpu.memref_slice %arg5[%select_n3A_1742, %mul3A_1768] : memref<50x128xi32, #tpu.memory_space<vmem>> -> memref<1x64xi32, #tpu.memory_space<vmem>>
        %dma_start3A_1770 = tpu.memref_squeeze %dma_start3A_1769 : memref<1x64xi32, #tpu.memory_space<vmem>> -> memref<64xi32, #tpu.memory_space<vmem>>
        %dma_start3A_1771 = arith.constant 0 : i32
        %dma_start3A_1772 = arith.constant 0 : i32
        %dma_start3A_1773 = tpu.memref_slice %arg3[%dma_start3A_1771, %dma_start3A_1772] : memref<100000x128xf32, #tpu.memory_space<hbm>> -> memref<100000x128xf32, #tpu.memory_space<hbm>>
        tpu.enqueue_indirect_dma source(%dma_start3A_1773 : memref<100000x128xf32, #tpu.memory_space<hbm>>) target(%arg11 : memref<64x128xf32, #tpu.memory_space<vmem>>) offsets(%dma_start3A_1770 : memref<64xi32, #tpu.memory_space<vmem>>) semaphore(%arg21 : memref<!tpu.dma_semaphore, #tpu.memory_space<semaphore_mem>>)
        %add3A_1774 = arith.constant 6 : i32
        %add3A_1775 = arith.addi %mul3A_168, %add3A_1774 : i32
        %jit3A_1776 = arith.constant 50 : i32
        %eq3A_1777 = arith.constant 0 : i32
        %eq3A_1778 = arith.cmpi eq, %jit3A_1776, %eq3A_1777 : i32
        %jit3A_1779 = arith.constant 1 : i32
        %select_n3A_1780 = arith.select %eq3A_1778, %jit3A_1779, %jit3A_1776 : i32
        %rem3A_1781 = arith.remsi %add3A_1775, %select_n3A_1780 : i32
        %ne3A_1782 = arith.constant 0 : i32
        %ne3A_1783 = arith.cmpi ne, %rem3A_1781, %ne3A_1782 : i32
        %lt3A_1784 = arith.constant 0 : i32
        %lt3A_1785 = arith.cmpi slt, %rem3A_1781, %lt3A_1784 : i32
        %lt3A_1786 = arith.constant 0 : i32
        %lt3A_1787 = arith.cmpi slt, %select_n3A_1780, %lt3A_1786 : i32
        %ne3A_1788 = arith.xori %lt3A_1785, %lt3A_1787 : i1
        %and3A_1789 = arith.andi %ne3A_1788, %ne3A_1783 : i1
        %add3A_1790 = arith.addi %rem3A_1781, %select_n3A_1780 : i32
        %select_n3A_1791 = arith.select %and3A_1789, %add3A_1790, %rem3A_1781 : i32
        %jit3A_1792 = arith.constant 50 : i32
        %div3A_1793 = arith.divsi %add3A_1775, %jit3A_1792 : i32
        %sign3A_1794 = arith.constant 0 : i32
        %sign3A_1795 = arith.cmpi sgt, %add3A_1775, %sign3A_1794 : i32
        %sign3A_1796 = arith.extui %sign3A_1795 : i1 to i32
        %sign3A_1797 = arith.constant 0 : i32
        %sign3A_1798 = arith.cmpi slt, %add3A_1775, %sign3A_1797 : i32
        %sign3A_1799 = arith.extui %sign3A_1798 : i1 to i32
        %sign3A_1800 = arith.subi %sign3A_1796, %sign3A_1799 : i32
        %sign3A_1801 = arith.constant 0 : i32
        %sign3A_1802 = arith.cmpi sgt, %jit3A_1792, %sign3A_1801 : i32
        %sign3A_1803 = arith.extui %sign3A_1802 : i1 to i32
        %sign3A_1804 = arith.constant 0 : i32
        %sign3A_1805 = arith.cmpi slt, %jit3A_1792, %sign3A_1804 : i32
        %sign3A_1806 = arith.extui %sign3A_1805 : i1 to i32
        %sign3A_1807 = arith.subi %sign3A_1803, %sign3A_1806 : i32
        %ne3A_1808 = arith.cmpi ne, %sign3A_1800, %sign3A_1807 : i32
        %rem3A_1809 = arith.remsi %add3A_1775, %jit3A_1792 : i32
        %ne3A_1810 = arith.constant 0 : i32
        %ne3A_1811 = arith.cmpi ne, %rem3A_1809, %ne3A_1810 : i32
        %and3A_1812 = arith.andi %ne3A_1808, %ne3A_1811 : i1
        %sub3A_1813 = arith.constant 1 : i32
        %sub3A_1814 = arith.subi %div3A_1793, %sub3A_1813 : i32
        %select_n3A_1815 = arith.select %and3A_1812, %sub3A_1814, %div3A_1793 : i32
        %mul3A_1816 = arith.constant 64 : i32
        %mul3A_1817 = arith.muli %select_n3A_1815, %mul3A_1816 : i32
        %add3A_1818 = arith.addi %mul3A_2, %mul3A_1817 : i32
        %dma_wait3A_1819 = arith.constant 0 : i32
        %dma_wait3A_1820 = tpu.memref_slice %arg4[%select_n3A_1791, %add3A_1818, %dma_wait3A_1819] : memref<50x4096x128xf32, #tpu.memory_space<hbm>> -> memref<1x64x128xf32, #tpu.memory_space<hbm>>
        %dma_wait3A_1821 = tpu.memref_squeeze %dma_wait3A_1820 : memref<1x64x128xf32, #tpu.memory_space<hbm>> -> memref<64x128xf32, #tpu.memory_space<hbm>>
        %dma_wait3A_1822 = arith.constant 0 : i32
        %dma_wait3A_1823 = tpu.memref_slice %arg4[%select_n3A_1791, %add3A_1818, %dma_wait3A_1822] : memref<50x4096x128xf32, #tpu.memory_space<hbm>> -> memref<1x64x128xf32, #tpu.memory_space<hbm>>
        %dma_wait3A_1824 = tpu.memref_squeeze %dma_wait3A_1823 : memref<1x64x128xf32, #tpu.memory_space<hbm>> -> memref<64x128xf32, #tpu.memory_space<hbm>>
        tpu.wait_dma2 semaphore(%arg32 : memref<!tpu.dma_semaphore, #tpu.memory_space<semaphore_mem>>) src(%arg12 : memref<64x128xf32, #tpu.memory_space<vmem>>) dst(%dma_wait3A_1824 : memref<64x128xf32, #tpu.memory_space<hbm>>)
        %add3A_1825 = arith.constant 10 : i32
        %add3A_1826 = arith.addi %mul3A_168, %add3A_1825 : i32
        %add3A_1827 = arith.constant 6 : i32
        %add3A_1828 = arith.addi %add3A_1826, %add3A_1827 : i32
        %jit3A_1829 = arith.constant 50 : i32
        %eq3A_1830 = arith.constant 0 : i32
        %eq3A_1831 = arith.cmpi eq, %jit3A_1829, %eq3A_1830 : i32
        %jit3A_1832 = arith.constant 1 : i32
        %select_n3A_1833 = arith.select %eq3A_1831, %jit3A_1832, %jit3A_1829 : i32
        %rem3A_1834 = arith.remsi %add3A_1828, %select_n3A_1833 : i32
        %ne3A_1835 = arith.constant 0 : i32
        %ne3A_1836 = arith.cmpi ne, %rem3A_1834, %ne3A_1835 : i32
        %lt3A_1837 = arith.constant 0 : i32
        %lt3A_1838 = arith.cmpi slt, %rem3A_1834, %lt3A_1837 : i32
        %lt3A_1839 = arith.constant 0 : i32
        %lt3A_1840 = arith.cmpi slt, %select_n3A_1833, %lt3A_1839 : i32
        %ne3A_1841 = arith.xori %lt3A_1838, %lt3A_1840 : i1
        %and3A_1842 = arith.andi %ne3A_1841, %ne3A_1836 : i1
        %add3A_1843 = arith.addi %rem3A_1834, %select_n3A_1833 : i32
        %select_n3A_1844 = arith.select %and3A_1842, %add3A_1843, %rem3A_1834 : i32
        %jit3A_1845 = arith.constant 50 : i32
        %div3A_1846 = arith.divsi %add3A_1828, %jit3A_1845 : i32
        %sign3A_1847 = arith.constant 0 : i32
        %sign3A_1848 = arith.cmpi sgt, %add3A_1828, %sign3A_1847 : i32
        %sign3A_1849 = arith.extui %sign3A_1848 : i1 to i32
        %sign3A_1850 = arith.constant 0 : i32
        %sign3A_1851 = arith.cmpi slt, %add3A_1828, %sign3A_1850 : i32
        %sign3A_1852 = arith.extui %sign3A_1851 : i1 to i32
        %sign3A_1853 = arith.subi %sign3A_1849, %sign3A_1852 : i32
        %sign3A_1854 = arith.constant 0 : i32
        %sign3A_1855 = arith.cmpi sgt, %jit3A_1845, %sign3A_1854 : i32
        %sign3A_1856 = arith.extui %sign3A_1855 : i1 to i32
        %sign3A_1857 = arith.constant 0 : i32
        %sign3A_1858 = arith.cmpi slt, %jit3A_1845, %sign3A_1857 : i32
        %sign3A_1859 = arith.extui %sign3A_1858 : i1 to i32
        %sign3A_1860 = arith.subi %sign3A_1856, %sign3A_1859 : i32
        %ne3A_1861 = arith.cmpi ne, %sign3A_1853, %sign3A_1860 : i32
        %rem3A_1862 = arith.remsi %add3A_1828, %jit3A_1845 : i32
        %ne3A_1863 = arith.constant 0 : i32
        %ne3A_1864 = arith.cmpi ne, %rem3A_1862, %ne3A_1863 : i32
        %and3A_1865 = arith.andi %ne3A_1861, %ne3A_1864 : i1
        %sub3A_1866 = arith.constant 1 : i32
        %sub3A_1867 = arith.subi %div3A_1846, %sub3A_1866 : i32
        %select_n3A_1868 = arith.select %and3A_1865, %sub3A_1867, %div3A_1846 : i32
        %mul3A_1869 = arith.constant 64 : i32
        %mul3A_1870 = arith.muli %select_n3A_1868, %mul3A_1869 : i32
        %dma_start3A_1871 = tpu.memref_slice %arg5[%select_n3A_1844, %mul3A_1870] : memref<50x128xi32, #tpu.memory_space<vmem>> -> memref<1x64xi32, #tpu.memory_space<vmem>>
        %dma_start3A_1872 = tpu.memref_squeeze %dma_start3A_1871 : memref<1x64xi32, #tpu.memory_space<vmem>> -> memref<64xi32, #tpu.memory_space<vmem>>
        %dma_start3A_1873 = arith.constant 0 : i32
        %dma_start3A_1874 = arith.constant 0 : i32
        %dma_start3A_1875 = tpu.memref_slice %arg3[%dma_start3A_1873, %dma_start3A_1874] : memref<100000x128xf32, #tpu.memory_space<hbm>> -> memref<100000x128xf32, #tpu.memory_space<hbm>>
        tpu.enqueue_indirect_dma source(%dma_start3A_1875 : memref<100000x128xf32, #tpu.memory_space<hbm>>) target(%arg12 : memref<64x128xf32, #tpu.memory_space<vmem>>) offsets(%dma_start3A_1872 : memref<64xi32, #tpu.memory_space<vmem>>) semaphore(%arg22 : memref<!tpu.dma_semaphore, #tpu.memory_space<semaphore_mem>>)
        %add3A_1876 = arith.constant 7 : i32
        %add3A_1877 = arith.addi %mul3A_168, %add3A_1876 : i32
        %jit3A_1878 = arith.constant 50 : i32
        %eq3A_1879 = arith.constant 0 : i32
        %eq3A_1880 = arith.cmpi eq, %jit3A_1878, %eq3A_1879 : i32
        %jit3A_1881 = arith.constant 1 : i32
        %select_n3A_1882 = arith.select %eq3A_1880, %jit3A_1881, %jit3A_1878 : i32
        %rem3A_1883 = arith.remsi %add3A_1877, %select_n3A_1882 : i32
        %ne3A_1884 = arith.constant 0 : i32
        %ne3A_1885 = arith.cmpi ne, %rem3A_1883, %ne3A_1884 : i32
        %lt3A_1886 = arith.constant 0 : i32
        %lt3A_1887 = arith.cmpi slt, %rem3A_1883, %lt3A_1886 : i32
        %lt3A_1888 = arith.constant 0 : i32
        %lt3A_1889 = arith.cmpi slt, %select_n3A_1882, %lt3A_1888 : i32
        %ne3A_1890 = arith.xori %lt3A_1887, %lt3A_1889 : i1
        %and3A_1891 = arith.andi %ne3A_1890, %ne3A_1885 : i1
        %add3A_1892 = arith.addi %rem3A_1883, %select_n3A_1882 : i32
        %select_n3A_1893 = arith.select %and3A_1891, %add3A_1892, %rem3A_1883 : i32
        %jit3A_1894 = arith.constant 50 : i32
        %div3A_1895 = arith.divsi %add3A_1877, %jit3A_1894 : i32
        %sign3A_1896 = arith.constant 0 : i32
        %sign3A_1897 = arith.cmpi sgt, %add3A_1877, %sign3A_1896 : i32
        %sign3A_1898 = arith.extui %sign3A_1897 : i1 to i32
        %sign3A_1899 = arith.constant 0 : i32
        %sign3A_1900 = arith.cmpi slt, %add3A_1877, %sign3A_1899 : i32
        %sign3A_1901 = arith.extui %sign3A_1900 : i1 to i32
        %sign3A_1902 = arith.subi %sign3A_1898, %sign3A_1901 : i32
        %sign3A_1903 = arith.constant 0 : i32
        %sign3A_1904 = arith.cmpi sgt, %jit3A_1894, %sign3A_1903 : i32
        %sign3A_1905 = arith.extui %sign3A_1904 : i1 to i32
        %sign3A_1906 = arith.constant 0 : i32
        %sign3A_1907 = arith.cmpi slt, %jit3A_1894, %sign3A_1906 : i32
        %sign3A_1908 = arith.extui %sign3A_1907 : i1 to i32
        %sign3A_1909 = arith.subi %sign3A_1905, %sign3A_1908 : i32
        %ne3A_1910 = arith.cmpi ne, %sign3A_1902, %sign3A_1909 : i32
        %rem3A_1911 = arith.remsi %add3A_1877, %jit3A_1894 : i32
        %ne3A_1912 = arith.constant 0 : i32
        %ne3A_1913 = arith.cmpi ne, %rem3A_1911, %ne3A_1912 : i32
        %and3A_1914 = arith.andi %ne3A_1910, %ne3A_1913 : i1
        %sub3A_1915 = arith.constant 1 : i32
        %sub3A_1916 = arith.subi %div3A_1895, %sub3A_1915 : i32
        %select_n3A_1917 = arith.select %and3A_1914, %sub3A_1916, %div3A_1895 : i32
        %mul3A_1918 = arith.constant 64 : i32
        %mul3A_1919 = arith.muli %select_n3A_1917, %mul3A_1918 : i32
        %add3A_1920 = arith.addi %mul3A_2, %mul3A_1919 : i32
        %dma_wait3A_1921 = arith.constant 0 : i32
        %dma_wait3A_1922 = tpu.memref_slice %arg4[%select_n3A_1893, %add3A_1920, %dma_wait3A_1921] : memref<50x4096x128xf32, #tpu.memory_space<hbm>> -> memref<1x64x128xf32, #tpu.memory_space<hbm>>
        %dma_wait3A_1923 = tpu.memref_squeeze %dma_wait3A_1922 : memref<1x64x128xf32, #tpu.memory_space<hbm>> -> memref<64x128xf32, #tpu.memory_space<hbm>>
        %dma_wait3A_1924 = arith.constant 0 : i32
        %dma_wait3A_1925 = tpu.memref_slice %arg4[%select_n3A_1893, %add3A_1920, %dma_wait3A_1924] : memref<50x4096x128xf32, #tpu.memory_space<hbm>> -> memref<1x64x128xf32, #tpu.memory_space<hbm>>
        %dma_wait3A_1926 = tpu.memref_squeeze %dma_wait3A_1925 : memref<1x64x128xf32, #tpu.memory_space<hbm>> -> memref<64x128xf32, #tpu.memory_space<hbm>>
        tpu.wait_dma2 semaphore(%arg33 : memref<!tpu.dma_semaphore, #tpu.memory_space<semaphore_mem>>) src(%arg13 : memref<64x128xf32, #tpu.memory_space<vmem>>) dst(%dma_wait3A_1926 : memref<64x128xf32, #tpu.memory_space<hbm>>)
        %add3A_1927 = arith.constant 10 : i32
        %add3A_1928 = arith.addi %mul3A_168, %add3A_1927 : i32
        %add3A_1929 = arith.constant 7 : i32
        %add3A_1930 = arith.addi %add3A_1928, %add3A_1929 : i32
        %jit3A_1931 = arith.constant 50 : i32
        %eq3A_1932 = arith.constant 0 : i32
        %eq3A_1933 = arith.cmpi eq, %jit3A_1931, %eq3A_1932 : i32
        %jit3A_1934 = arith.constant 1 : i32
        %select_n3A_1935 = arith.select %eq3A_1933, %jit3A_1934, %jit3A_1931 : i32
        %rem3A_1936 = arith.remsi %add3A_1930, %select_n3A_1935 : i32
        %ne3A_1937 = arith.constant 0 : i32
        %ne3A_1938 = arith.cmpi ne, %rem3A_1936, %ne3A_1937 : i32
        %lt3A_1939 = arith.constant 0 : i32
        %lt3A_1940 = arith.cmpi slt, %rem3A_1936, %lt3A_1939 : i32
        %lt3A_1941 = arith.constant 0 : i32
        %lt3A_1942 = arith.cmpi slt, %select_n3A_1935, %lt3A_1941 : i32
        %ne3A_1943 = arith.xori %lt3A_1940, %lt3A_1942 : i1
        %and3A_1944 = arith.andi %ne3A_1943, %ne3A_1938 : i1
        %add3A_1945 = arith.addi %rem3A_1936, %select_n3A_1935 : i32
        %select_n3A_1946 = arith.select %and3A_1944, %add3A_1945, %rem3A_1936 : i32
        %jit3A_1947 = arith.constant 50 : i32
        %div3A_1948 = arith.divsi %add3A_1930, %jit3A_1947 : i32
        %sign3A_1949 = arith.constant 0 : i32
        %sign3A_1950 = arith.cmpi sgt, %add3A_1930, %sign3A_1949 : i32
        %sign3A_1951 = arith.extui %sign3A_1950 : i1 to i32
        %sign3A_1952 = arith.constant 0 : i32
        %sign3A_1953 = arith.cmpi slt, %add3A_1930, %sign3A_1952 : i32
        %sign3A_1954 = arith.extui %sign3A_1953 : i1 to i32
        %sign3A_1955 = arith.subi %sign3A_1951, %sign3A_1954 : i32
        %sign3A_1956 = arith.constant 0 : i32
        %sign3A_1957 = arith.cmpi sgt, %jit3A_1947, %sign3A_1956 : i32
        %sign3A_1958 = arith.extui %sign3A_1957 : i1 to i32
        %sign3A_1959 = arith.constant 0 : i32
        %sign3A_1960 = arith.cmpi slt, %jit3A_1947, %sign3A_1959 : i32
        %sign3A_1961 = arith.extui %sign3A_1960 : i1 to i32
        %sign3A_1962 = arith.subi %sign3A_1958, %sign3A_1961 : i32
        %ne3A_1963 = arith.cmpi ne, %sign3A_1955, %sign3A_1962 : i32
        %rem3A_1964 = arith.remsi %add3A_1930, %jit3A_1947 : i32
        %ne3A_1965 = arith.constant 0 : i32
        %ne3A_1966 = arith.cmpi ne, %rem3A_1964, %ne3A_1965 : i32
        %and3A_1967 = arith.andi %ne3A_1963, %ne3A_1966 : i1
        %sub3A_1968 = arith.constant 1 : i32
        %sub3A_1969 = arith.subi %div3A_1948, %sub3A_1968 : i32
        %select_n3A_1970 = arith.select %and3A_1967, %sub3A_1969, %div3A_1948 : i32
        %mul3A_1971 = arith.constant 64 : i32
        %mul3A_1972 = arith.muli %select_n3A_1970, %mul3A_1971 : i32
        %dma_start3A_1973 = tpu.memref_slice %arg5[%select_n3A_1946, %mul3A_1972] : memref<50x128xi32, #tpu.memory_space<vmem>> -> memref<1x64xi32, #tpu.memory_space<vmem>>
        %dma_start3A_1974 = tpu.memref_squeeze %dma_start3A_1973 : memref<1x64xi32, #tpu.memory_space<vmem>> -> memref<64xi32, #tpu.memory_space<vmem>>
        %dma_start3A_1975 = arith.constant 0 : i32
        %dma_start3A_1976 = arith.constant 0 : i32
        %dma_start3A_1977 = tpu.memref_slice %arg3[%dma_start3A_1975, %dma_start3A_1976] : memref<100000x128xf32, #tpu.memory_space<hbm>> -> memref<100000x128xf32, #tpu.memory_space<hbm>>
        tpu.enqueue_indirect_dma source(%dma_start3A_1977 : memref<100000x128xf32, #tpu.memory_space<hbm>>) target(%arg13 : memref<64x128xf32, #tpu.memory_space<vmem>>) offsets(%dma_start3A_1974 : memref<64xi32, #tpu.memory_space<vmem>>) semaphore(%arg23 : memref<!tpu.dma_semaphore, #tpu.memory_space<semaphore_mem>>)
        %add3A_1978 = arith.constant 8 : i32
        %add3A_1979 = arith.addi %mul3A_168, %add3A_1978 : i32
        %jit3A_1980 = arith.constant 50 : i32
        %eq3A_1981 = arith.constant 0 : i32
        %eq3A_1982 = arith.cmpi eq, %jit3A_1980, %eq3A_1981 : i32
        %jit3A_1983 = arith.constant 1 : i32
        %select_n3A_1984 = arith.select %eq3A_1982, %jit3A_1983, %jit3A_1980 : i32
        %rem3A_1985 = arith.remsi %add3A_1979, %select_n3A_1984 : i32
        %ne3A_1986 = arith.constant 0 : i32
        %ne3A_1987 = arith.cmpi ne, %rem3A_1985, %ne3A_1986 : i32
        %lt3A_1988 = arith.constant 0 : i32
        %lt3A_1989 = arith.cmpi slt, %rem3A_1985, %lt3A_1988 : i32
        %lt3A_1990 = arith.constant 0 : i32
        %lt3A_1991 = arith.cmpi slt, %select_n3A_1984, %lt3A_1990 : i32
        %ne3A_1992 = arith.xori %lt3A_1989, %lt3A_1991 : i1
        %and3A_1993 = arith.andi %ne3A_1992, %ne3A_1987 : i1
        %add3A_1994 = arith.addi %rem3A_1985, %select_n3A_1984 : i32
        %select_n3A_1995 = arith.select %and3A_1993, %add3A_1994, %rem3A_1985 : i32
        %jit3A_1996 = arith.constant 50 : i32
        %div3A_1997 = arith.divsi %add3A_1979, %jit3A_1996 : i32
        %sign3A_1998 = arith.constant 0 : i32
        %sign3A_1999 = arith.cmpi sgt, %add3A_1979, %sign3A_1998 : i32
        %sign3A_2000 = arith.extui %sign3A_1999 : i1 to i32
        %sign3A_2001 = arith.constant 0 : i32
        %sign3A_2002 = arith.cmpi slt, %add3A_1979, %sign3A_2001 : i32
        %sign3A_2003 = arith.extui %sign3A_2002 : i1 to i32
        %sign3A_2004 = arith.subi %sign3A_2000, %sign3A_2003 : i32
        %sign3A_2005 = arith.constant 0 : i32
        %sign3A_2006 = arith.cmpi sgt, %jit3A_1996, %sign3A_2005 : i32
        %sign3A_2007 = arith.extui %sign3A_2006 : i1 to i32
        %sign3A_2008 = arith.constant 0 : i32
        %sign3A_2009 = arith.cmpi slt, %jit3A_1996, %sign3A_2008 : i32
        %sign3A_2010 = arith.extui %sign3A_2009 : i1 to i32
        %sign3A_2011 = arith.subi %sign3A_2007, %sign3A_2010 : i32
        %ne3A_2012 = arith.cmpi ne, %sign3A_2004, %sign3A_2011 : i32
        %rem3A_2013 = arith.remsi %add3A_1979, %jit3A_1996 : i32
        %ne3A_2014 = arith.constant 0 : i32
        %ne3A_2015 = arith.cmpi ne, %rem3A_2013, %ne3A_2014 : i32
        %and3A_2016 = arith.andi %ne3A_2012, %ne3A_2015 : i1
        %sub3A_2017 = arith.constant 1 : i32
        %sub3A_2018 = arith.subi %div3A_1997, %sub3A_2017 : i32
        %select_n3A_2019 = arith.select %and3A_2016, %sub3A_2018, %div3A_1997 : i32
        %mul3A_2020 = arith.constant 64 : i32
        %mul3A_2021 = arith.muli %select_n3A_2019, %mul3A_2020 : i32
        %add3A_2022 = arith.addi %mul3A_2, %mul3A_2021 : i32
        %dma_wait3A_2023 = arith.constant 0 : i32
        %dma_wait3A_2024 = tpu.memref_slice %arg4[%select_n3A_1995, %add3A_2022, %dma_wait3A_2023] : memref<50x4096x128xf32, #tpu.memory_space<hbm>> -> memref<1x64x128xf32, #tpu.memory_space<hbm>>
        %dma_wait3A_2025 = tpu.memref_squeeze %dma_wait3A_2024 : memref<1x64x128xf32, #tpu.memory_space<hbm>> -> memref<64x128xf32, #tpu.memory_space<hbm>>
        %dma_wait3A_2026 = arith.constant 0 : i32
        %dma_wait3A_2027 = tpu.memref_slice %arg4[%select_n3A_1995, %add3A_2022, %dma_wait3A_2026] : memref<50x4096x128xf32, #tpu.memory_space<hbm>> -> memref<1x64x128xf32, #tpu.memory_space<hbm>>
        %dma_wait3A_2028 = tpu.memref_squeeze %dma_wait3A_2027 : memref<1x64x128xf32, #tpu.memory_space<hbm>> -> memref<64x128xf32, #tpu.memory_space<hbm>>
        tpu.wait_dma2 semaphore(%arg34 : memref<!tpu.dma_semaphore, #tpu.memory_space<semaphore_mem>>) src(%arg14 : memref<64x128xf32, #tpu.memory_space<vmem>>) dst(%dma_wait3A_2028 : memref<64x128xf32, #tpu.memory_space<hbm>>)
        %add3A_2029 = arith.constant 10 : i32
        %add3A_2030 = arith.addi %mul3A_168, %add3A_2029 : i32
        %add3A_2031 = arith.constant 8 : i32
        %add3A_2032 = arith.addi %add3A_2030, %add3A_2031 : i32
        %jit3A_2033 = arith.constant 50 : i32
        %eq3A_2034 = arith.constant 0 : i32
        %eq3A_2035 = arith.cmpi eq, %jit3A_2033, %eq3A_2034 : i32
        %jit3A_2036 = arith.constant 1 : i32
        %select_n3A_2037 = arith.select %eq3A_2035, %jit3A_2036, %jit3A_2033 : i32
        %rem3A_2038 = arith.remsi %add3A_2032, %select_n3A_2037 : i32
        %ne3A_2039 = arith.constant 0 : i32
        %ne3A_2040 = arith.cmpi ne, %rem3A_2038, %ne3A_2039 : i32
        %lt3A_2041 = arith.constant 0 : i32
        %lt3A_2042 = arith.cmpi slt, %rem3A_2038, %lt3A_2041 : i32
        %lt3A_2043 = arith.constant 0 : i32
        %lt3A_2044 = arith.cmpi slt, %select_n3A_2037, %lt3A_2043 : i32
        %ne3A_2045 = arith.xori %lt3A_2042, %lt3A_2044 : i1
        %and3A_2046 = arith.andi %ne3A_2045, %ne3A_2040 : i1
        %add3A_2047 = arith.addi %rem3A_2038, %select_n3A_2037 : i32
        %select_n3A_2048 = arith.select %and3A_2046, %add3A_2047, %rem3A_2038 : i32
        %jit3A_2049 = arith.constant 50 : i32
        %div3A_2050 = arith.divsi %add3A_2032, %jit3A_2049 : i32
        %sign3A_2051 = arith.constant 0 : i32
        %sign3A_2052 = arith.cmpi sgt, %add3A_2032, %sign3A_2051 : i32
        %sign3A_2053 = arith.extui %sign3A_2052 : i1 to i32
        %sign3A_2054 = arith.constant 0 : i32
        %sign3A_2055 = arith.cmpi slt, %add3A_2032, %sign3A_2054 : i32
        %sign3A_2056 = arith.extui %sign3A_2055 : i1 to i32
        %sign3A_2057 = arith.subi %sign3A_2053, %sign3A_2056 : i32
        %sign3A_2058 = arith.constant 0 : i32
        %sign3A_2059 = arith.cmpi sgt, %jit3A_2049, %sign3A_2058 : i32
        %sign3A_2060 = arith.extui %sign3A_2059 : i1 to i32
        %sign3A_2061 = arith.constant 0 : i32
        %sign3A_2062 = arith.cmpi slt, %jit3A_2049, %sign3A_2061 : i32
        %sign3A_2063 = arith.extui %sign3A_2062 : i1 to i32
        %sign3A_2064 = arith.subi %sign3A_2060, %sign3A_2063 : i32
        %ne3A_2065 = arith.cmpi ne, %sign3A_2057, %sign3A_2064 : i32
        %rem3A_2066 = arith.remsi %add3A_2032, %jit3A_2049 : i32
        %ne3A_2067 = arith.constant 0 : i32
        %ne3A_2068 = arith.cmpi ne, %rem3A_2066, %ne3A_2067 : i32
        %and3A_2069 = arith.andi %ne3A_2065, %ne3A_2068 : i1
        %sub3A_2070 = arith.constant 1 : i32
        %sub3A_2071 = arith.subi %div3A_2050, %sub3A_2070 : i32
        %select_n3A_2072 = arith.select %and3A_2069, %sub3A_2071, %div3A_2050 : i32
        %mul3A_2073 = arith.constant 64 : i32
        %mul3A_2074 = arith.muli %select_n3A_2072, %mul3A_2073 : i32
        %dma_start3A_2075 = tpu.memref_slice %arg5[%select_n3A_2048, %mul3A_2074] : memref<50x128xi32, #tpu.memory_space<vmem>> -> memref<1x64xi32, #tpu.memory_space<vmem>>
        %dma_start3A_2076 = tpu.memref_squeeze %dma_start3A_2075 : memref<1x64xi32, #tpu.memory_space<vmem>> -> memref<64xi32, #tpu.memory_space<vmem>>
        %dma_start3A_2077 = arith.constant 0 : i32
        %dma_start3A_2078 = arith.constant 0 : i32
        %dma_start3A_2079 = tpu.memref_slice %arg3[%dma_start3A_2077, %dma_start3A_2078] : memref<100000x128xf32, #tpu.memory_space<hbm>> -> memref<100000x128xf32, #tpu.memory_space<hbm>>
        tpu.enqueue_indirect_dma source(%dma_start3A_2079 : memref<100000x128xf32, #tpu.memory_space<hbm>>) target(%arg14 : memref<64x128xf32, #tpu.memory_space<vmem>>) offsets(%dma_start3A_2076 : memref<64xi32, #tpu.memory_space<vmem>>) semaphore(%arg24 : memref<!tpu.dma_semaphore, #tpu.memory_space<semaphore_mem>>)
        %add3A_2080 = arith.constant 9 : i32
        %add3A_2081 = arith.addi %mul3A_168, %add3A_2080 : i32
        %jit3A_2082 = arith.constant 50 : i32
        %eq3A_2083 = arith.constant 0 : i32
        %eq3A_2084 = arith.cmpi eq, %jit3A_2082, %eq3A_2083 : i32
        %jit3A_2085 = arith.constant 1 : i32
        %select_n3A_2086 = arith.select %eq3A_2084, %jit3A_2085, %jit3A_2082 : i32
        %rem3A_2087 = arith.remsi %add3A_2081, %select_n3A_2086 : i32
        %ne3A_2088 = arith.constant 0 : i32
        %ne3A_2089 = arith.cmpi ne, %rem3A_2087, %ne3A_2088 : i32
        %lt3A_2090 = arith.constant 0 : i32
        %lt3A_2091 = arith.cmpi slt, %rem3A_2087, %lt3A_2090 : i32
        %lt3A_2092 = arith.constant 0 : i32
        %lt3A_2093 = arith.cmpi slt, %select_n3A_2086, %lt3A_2092 : i32
        %ne3A_2094 = arith.xori %lt3A_2091, %lt3A_2093 : i1
        %and3A_2095 = arith.andi %ne3A_2094, %ne3A_2089 : i1
        %add3A_2096 = arith.addi %rem3A_2087, %select_n3A_2086 : i32
        %select_n3A_2097 = arith.select %and3A_2095, %add3A_2096, %rem3A_2087 : i32
        %jit3A_2098 = arith.constant 50 : i32
        %div3A_2099 = arith.divsi %add3A_2081, %jit3A_2098 : i32
        %sign3A_2100 = arith.constant 0 : i32
        %sign3A_2101 = arith.cmpi sgt, %add3A_2081, %sign3A_2100 : i32
        %sign3A_2102 = arith.extui %sign3A_2101 : i1 to i32
        %sign3A_2103 = arith.constant 0 : i32
        %sign3A_2104 = arith.cmpi slt, %add3A_2081, %sign3A_2103 : i32
        %sign3A_2105 = arith.extui %sign3A_2104 : i1 to i32
        %sign3A_2106 = arith.subi %sign3A_2102, %sign3A_2105 : i32
        %sign3A_2107 = arith.constant 0 : i32
        %sign3A_2108 = arith.cmpi sgt, %jit3A_2098, %sign3A_2107 : i32
        %sign3A_2109 = arith.extui %sign3A_2108 : i1 to i32
        %sign3A_2110 = arith.constant 0 : i32
        %sign3A_2111 = arith.cmpi slt, %jit3A_2098, %sign3A_2110 : i32
        %sign3A_2112 = arith.extui %sign3A_2111 : i1 to i32
        %sign3A_2113 = arith.subi %sign3A_2109, %sign3A_2112 : i32
        %ne3A_2114 = arith.cmpi ne, %sign3A_2106, %sign3A_2113 : i32
        %rem3A_2115 = arith.remsi %add3A_2081, %jit3A_2098 : i32
        %ne3A_2116 = arith.constant 0 : i32
        %ne3A_2117 = arith.cmpi ne, %rem3A_2115, %ne3A_2116 : i32
        %and3A_2118 = arith.andi %ne3A_2114, %ne3A_2117 : i1
        %sub3A_2119 = arith.constant 1 : i32
        %sub3A_2120 = arith.subi %div3A_2099, %sub3A_2119 : i32
        %select_n3A_2121 = arith.select %and3A_2118, %sub3A_2120, %div3A_2099 : i32
        %mul3A_2122 = arith.constant 64 : i32
        %mul3A_2123 = arith.muli %select_n3A_2121, %mul3A_2122 : i32
        %add3A_2124 = arith.addi %mul3A_2, %mul3A_2123 : i32
        %dma_wait3A_2125 = arith.constant 0 : i32
        %dma_wait3A_2126 = tpu.memref_slice %arg4[%select_n3A_2097, %add3A_2124, %dma_wait3A_2125] : memref<50x4096x128xf32, #tpu.memory_space<hbm>> -> memref<1x64x128xf32, #tpu.memory_space<hbm>>
        %dma_wait3A_2127 = tpu.memref_squeeze %dma_wait3A_2126 : memref<1x64x128xf32, #tpu.memory_space<hbm>> -> memref<64x128xf32, #tpu.memory_space<hbm>>
        %dma_wait3A_2128 = arith.constant 0 : i32
        %dma_wait3A_2129 = tpu.memref_slice %arg4[%select_n3A_2097, %add3A_2124, %dma_wait3A_2128] : memref<50x4096x128xf32, #tpu.memory_space<hbm>> -> memref<1x64x128xf32, #tpu.memory_space<hbm>>
        %dma_wait3A_2130 = tpu.memref_squeeze %dma_wait3A_2129 : memref<1x64x128xf32, #tpu.memory_space<hbm>> -> memref<64x128xf32, #tpu.memory_space<hbm>>
        tpu.wait_dma2 semaphore(%arg35 : memref<!tpu.dma_semaphore, #tpu.memory_space<semaphore_mem>>) src(%arg15 : memref<64x128xf32, #tpu.memory_space<vmem>>) dst(%dma_wait3A_2130 : memref<64x128xf32, #tpu.memory_space<hbm>>)
        %add3A_2131 = arith.constant 10 : i32
        %add3A_2132 = arith.addi %mul3A_168, %add3A_2131 : i32
        %add3A_2133 = arith.constant 9 : i32
        %add3A_2134 = arith.addi %add3A_2132, %add3A_2133 : i32
        %jit3A_2135 = arith.constant 50 : i32
        %eq3A_2136 = arith.constant 0 : i32
        %eq3A_2137 = arith.cmpi eq, %jit3A_2135, %eq3A_2136 : i32
        %jit3A_2138 = arith.constant 1 : i32
        %select_n3A_2139 = arith.select %eq3A_2137, %jit3A_2138, %jit3A_2135 : i32
        %rem3A_2140 = arith.remsi %add3A_2134, %select_n3A_2139 : i32
        %ne3A_2141 = arith.constant 0 : i32
        %ne3A_2142 = arith.cmpi ne, %rem3A_2140, %ne3A_2141 : i32
        %lt3A_2143 = arith.constant 0 : i32
        %lt3A_2144 = arith.cmpi slt, %rem3A_2140, %lt3A_2143 : i32
        %lt3A_2145 = arith.constant 0 : i32
        %lt3A_2146 = arith.cmpi slt, %select_n3A_2139, %lt3A_2145 : i32
        %ne3A_2147 = arith.xori %lt3A_2144, %lt3A_2146 : i1
        %and3A_2148 = arith.andi %ne3A_2147, %ne3A_2142 : i1
        %add3A_2149 = arith.addi %rem3A_2140, %select_n3A_2139 : i32
        %select_n3A_2150 = arith.select %and3A_2148, %add3A_2149, %rem3A_2140 : i32
        %jit3A_2151 = arith.constant 50 : i32
        %div3A_2152 = arith.divsi %add3A_2134, %jit3A_2151 : i32
        %sign3A_2153 = arith.constant 0 : i32
        %sign3A_2154 = arith.cmpi sgt, %add3A_2134, %sign3A_2153 : i32
        %sign3A_2155 = arith.extui %sign3A_2154 : i1 to i32
        %sign3A_2156 = arith.constant 0 : i32
        %sign3A_2157 = arith.cmpi slt, %add3A_2134, %sign3A_2156 : i32
        %sign3A_2158 = arith.extui %sign3A_2157 : i1 to i32
        %sign3A_2159 = arith.subi %sign3A_2155, %sign3A_2158 : i32
        %sign3A_2160 = arith.constant 0 : i32
        %sign3A_2161 = arith.cmpi sgt, %jit3A_2151, %sign3A_2160 : i32
        %sign3A_2162 = arith.extui %sign3A_2161 : i1 to i32
        %sign3A_2163 = arith.constant 0 : i32
        %sign3A_2164 = arith.cmpi slt, %jit3A_2151, %sign3A_2163 : i32
        %sign3A_2165 = arith.extui %sign3A_2164 : i1 to i32
        %sign3A_2166 = arith.subi %sign3A_2162, %sign3A_2165 : i32
        %ne3A_2167 = arith.cmpi ne, %sign3A_2159, %sign3A_2166 : i32
        %rem3A_2168 = arith.remsi %add3A_2134, %jit3A_2151 : i32
        %ne3A_2169 = arith.constant 0 : i32
        %ne3A_2170 = arith.cmpi ne, %rem3A_2168, %ne3A_2169 : i32
        %and3A_2171 = arith.andi %ne3A_2167, %ne3A_2170 : i1
        %sub3A_2172 = arith.constant 1 : i32
        %sub3A_2173 = arith.subi %div3A_2152, %sub3A_2172 : i32
        %select_n3A_2174 = arith.select %and3A_2171, %sub3A_2173, %div3A_2152 : i32
        %mul3A_2175 = arith.constant 64 : i32
        %mul3A_2176 = arith.muli %select_n3A_2174, %mul3A_2175 : i32
        %dma_start3A_2177 = tpu.memref_slice %arg5[%select_n3A_2150, %mul3A_2176] : memref<50x128xi32, #tpu.memory_space<vmem>> -> memref<1x64xi32, #tpu.memory_space<vmem>>
        %dma_start3A_2178 = tpu.memref_squeeze %dma_start3A_2177 : memref<1x64xi32, #tpu.memory_space<vmem>> -> memref<64xi32, #tpu.memory_space<vmem>>
        %dma_start3A_2179 = arith.constant 0 : i32
        %dma_start3A_2180 = arith.constant 0 : i32
        %dma_start3A_2181 = tpu.memref_slice %arg3[%dma_start3A_2179, %dma_start3A_2180] : memref<100000x128xf32, #tpu.memory_space<hbm>> -> memref<100000x128xf32, #tpu.memory_space<hbm>>
        tpu.enqueue_indirect_dma source(%dma_start3A_2181 : memref<100000x128xf32, #tpu.memory_space<hbm>>) target(%arg15 : memref<64x128xf32, #tpu.memory_space<vmem>>) offsets(%dma_start3A_2178 : memref<64xi32, #tpu.memory_space<vmem>>) semaphore(%arg25 : memref<!tpu.dma_semaphore, #tpu.memory_space<semaphore_mem>>)
      } else {
      }
    }
    %scan3A_76 = arith.constant 10 : i32
    %add3A_77 = arith.constant 64 : i32
    %add3A_78 = arith.addi %mul3A_2, %add3A_77 : i32
    %dma_wait3A = arith.constant 40 : i32
    %dma_wait3A_79 = arith.constant 0 : i32
    %dma_wait3A_80 = tpu.memref_slice %arg4[%dma_wait3A, %add3A_78, %dma_wait3A_79] : memref<50x4096x128xf32, #tpu.memory_space<hbm>> -> memref<1x64x128xf32, #tpu.memory_space<hbm>>
    %dma_wait3A_81 = tpu.memref_squeeze %dma_wait3A_80 : memref<1x64x128xf32, #tpu.memory_space<hbm>> -> memref<64x128xf32, #tpu.memory_space<hbm>>
    %dma_wait3A_82 = arith.constant 0 : i32
    %dma_wait3A_83 = tpu.memref_slice %arg4[%dma_wait3A, %add3A_78, %dma_wait3A_82] : memref<50x4096x128xf32, #tpu.memory_space<hbm>> -> memref<1x64x128xf32, #tpu.memory_space<hbm>>
    %dma_wait3A_84 = tpu.memref_squeeze %dma_wait3A_83 : memref<1x64x128xf32, #tpu.memory_space<hbm>> -> memref<64x128xf32, #tpu.memory_space<hbm>>
    tpu.wait_dma2 semaphore(%arg26 : memref<!tpu.dma_semaphore, #tpu.memory_space<semaphore_mem>>) src(%arg6 : memref<64x128xf32, #tpu.memory_space<vmem>>) dst(%dma_wait3A_84 : memref<64x128xf32, #tpu.memory_space<hbm>>)
    %add3A_85 = arith.constant 64 : i32
    %add3A_86 = arith.addi %mul3A_2, %add3A_85 : i32
    %dma_wait3A_87 = arith.constant 41 : i32
    %dma_wait3A_88 = arith.constant 0 : i32
    %dma_wait3A_89 = tpu.memref_slice %arg4[%dma_wait3A_87, %add3A_86, %dma_wait3A_88] : memref<50x4096x128xf32, #tpu.memory_space<hbm>> -> memref<1x64x128xf32, #tpu.memory_space<hbm>>
    %dma_wait3A_90 = tpu.memref_squeeze %dma_wait3A_89 : memref<1x64x128xf32, #tpu.memory_space<hbm>> -> memref<64x128xf32, #tpu.memory_space<hbm>>
    %dma_wait3A_91 = arith.constant 0 : i32
    %dma_wait3A_92 = tpu.memref_slice %arg4[%dma_wait3A_87, %add3A_86, %dma_wait3A_91] : memref<50x4096x128xf32, #tpu.memory_space<hbm>> -> memref<1x64x128xf32, #tpu.memory_space<hbm>>
    %dma_wait3A_93 = tpu.memref_squeeze %dma_wait3A_92 : memref<1x64x128xf32, #tpu.memory_space<hbm>> -> memref<64x128xf32, #tpu.memory_space<hbm>>
    tpu.wait_dma2 semaphore(%arg27 : memref<!tpu.dma_semaphore, #tpu.memory_space<semaphore_mem>>) src(%arg7 : memref<64x128xf32, #tpu.memory_space<vmem>>) dst(%dma_wait3A_93 : memref<64x128xf32, #tpu.memory_space<hbm>>)
    %add3A_94 = arith.constant 64 : i32
    %add3A_95 = arith.addi %mul3A_2, %add3A_94 : i32
    %dma_wait3A_96 = arith.constant 42 : i32
    %dma_wait3A_97 = arith.constant 0 : i32
    %dma_wait3A_98 = tpu.memref_slice %arg4[%dma_wait3A_96, %add3A_95, %dma_wait3A_97] : memref<50x4096x128xf32, #tpu.memory_space<hbm>> -> memref<1x64x128xf32, #tpu.memory_space<hbm>>
    %dma_wait3A_99 = tpu.memref_squeeze %dma_wait3A_98 : memref<1x64x128xf32, #tpu.memory_space<hbm>> -> memref<64x128xf32, #tpu.memory_space<hbm>>
    %dma_wait3A_100 = arith.constant 0 : i32
    %dma_wait3A_101 = tpu.memref_slice %arg4[%dma_wait3A_96, %add3A_95, %dma_wait3A_100] : memref<50x4096x128xf32, #tpu.memory_space<hbm>> -> memref<1x64x128xf32, #tpu.memory_space<hbm>>
    %dma_wait3A_102 = tpu.memref_squeeze %dma_wait3A_101 : memref<1x64x128xf32, #tpu.memory_space<hbm>> -> memref<64x128xf32, #tpu.memory_space<hbm>>
    tpu.wait_dma2 semaphore(%arg28 : memref<!tpu.dma_semaphore, #tpu.memory_space<semaphore_mem>>) src(%arg8 : memref<64x128xf32, #tpu.memory_space<vmem>>) dst(%dma_wait3A_102 : memref<64x128xf32, #tpu.memory_space<hbm>>)
    %add3A_103 = arith.constant 64 : i32
    %add3A_104 = arith.addi %mul3A_2, %add3A_103 : i32
    %dma_wait3A_105 = arith.constant 43 : i32
    %dma_wait3A_106 = arith.constant 0 : i32
    %dma_wait3A_107 = tpu.memref_slice %arg4[%dma_wait3A_105, %add3A_104, %dma_wait3A_106] : memref<50x4096x128xf32, #tpu.memory_space<hbm>> -> memref<1x64x128xf32, #tpu.memory_space<hbm>>
    %dma_wait3A_108 = tpu.memref_squeeze %dma_wait3A_107 : memref<1x64x128xf32, #tpu.memory_space<hbm>> -> memref<64x128xf32, #tpu.memory_space<hbm>>
    %dma_wait3A_109 = arith.constant 0 : i32
    %dma_wait3A_110 = tpu.memref_slice %arg4[%dma_wait3A_105, %add3A_104, %dma_wait3A_109] : memref<50x4096x128xf32, #tpu.memory_space<hbm>> -> memref<1x64x128xf32, #tpu.memory_space<hbm>>
    %dma_wait3A_111 = tpu.memref_squeeze %dma_wait3A_110 : memref<1x64x128xf32, #tpu.memory_space<hbm>> -> memref<64x128xf32, #tpu.memory_space<hbm>>
    tpu.wait_dma2 semaphore(%arg29 : memref<!tpu.dma_semaphore, #tpu.memory_space<semaphore_mem>>) src(%arg9 : memref<64x128xf32, #tpu.memory_space<vmem>>) dst(%dma_wait3A_111 : memref<64x128xf32, #tpu.memory_space<hbm>>)
    %add3A_112 = arith.constant 64 : i32
    %add3A_113 = arith.addi %mul3A_2, %add3A_112 : i32
    %dma_wait3A_114 = arith.constant 44 : i32
    %dma_wait3A_115 = arith.constant 0 : i32
    %dma_wait3A_116 = tpu.memref_slice %arg4[%dma_wait3A_114, %add3A_113, %dma_wait3A_115] : memref<50x4096x128xf32, #tpu.memory_space<hbm>> -> memref<1x64x128xf32, #tpu.memory_space<hbm>>
    %dma_wait3A_117 = tpu.memref_squeeze %dma_wait3A_116 : memref<1x64x128xf32, #tpu.memory_space<hbm>> -> memref<64x128xf32, #tpu.memory_space<hbm>>
    %dma_wait3A_118 = arith.constant 0 : i32
    %dma_wait3A_119 = tpu.memref_slice %arg4[%dma_wait3A_114, %add3A_113, %dma_wait3A_118] : memref<50x4096x128xf32, #tpu.memory_space<hbm>> -> memref<1x64x128xf32, #tpu.memory_space<hbm>>
    %dma_wait3A_120 = tpu.memref_squeeze %dma_wait3A_119 : memref<1x64x128xf32, #tpu.memory_space<hbm>> -> memref<64x128xf32, #tpu.memory_space<hbm>>
    tpu.wait_dma2 semaphore(%arg30 : memref<!tpu.dma_semaphore, #tpu.memory_space<semaphore_mem>>) src(%arg10 : memref<64x128xf32, #tpu.memory_space<vmem>>) dst(%dma_wait3A_120 : memref<64x128xf32, #tpu.memory_space<hbm>>)
    %add3A_121 = arith.constant 64 : i32
    %add3A_122 = arith.addi %mul3A_2, %add3A_121 : i32
    %dma_wait3A_123 = arith.constant 45 : i32
    %dma_wait3A_124 = arith.constant 0 : i32
    %dma_wait3A_125 = tpu.memref_slice %arg4[%dma_wait3A_123, %add3A_122, %dma_wait3A_124] : memref<50x4096x128xf32, #tpu.memory_space<hbm>> -> memref<1x64x128xf32, #tpu.memory_space<hbm>>
    %dma_wait3A_126 = tpu.memref_squeeze %dma_wait3A_125 : memref<1x64x128xf32, #tpu.memory_space<hbm>> -> memref<64x128xf32, #tpu.memory_space<hbm>>
    %dma_wait3A_127 = arith.constant 0 : i32
    %dma_wait3A_128 = tpu.memref_slice %arg4[%dma_wait3A_123, %add3A_122, %dma_wait3A_127] : memref<50x4096x128xf32, #tpu.memory_space<hbm>> -> memref<1x64x128xf32, #tpu.memory_space<hbm>>
    %dma_wait3A_129 = tpu.memref_squeeze %dma_wait3A_128 : memref<1x64x128xf32, #tpu.memory_space<hbm>> -> memref<64x128xf32, #tpu.memory_space<hbm>>
    tpu.wait_dma2 semaphore(%arg31 : memref<!tpu.dma_semaphore, #tpu.memory_space<semaphore_mem>>) src(%arg11 : memref<64x128xf32, #tpu.memory_space<vmem>>) dst(%dma_wait3A_129 : memref<64x128xf32, #tpu.memory_space<hbm>>)
    %add3A_130 = arith.constant 64 : i32
    %add3A_131 = arith.addi %mul3A_2, %add3A_130 : i32
    %dma_wait3A_132 = arith.constant 46 : i32
    %dma_wait3A_133 = arith.constant 0 : i32
    %dma_wait3A_134 = tpu.memref_slice %arg4[%dma_wait3A_132, %add3A_131, %dma_wait3A_133] : memref<50x4096x128xf32, #tpu.memory_space<hbm>> -> memref<1x64x128xf32, #tpu.memory_space<hbm>>
    %dma_wait3A_135 = tpu.memref_squeeze %dma_wait3A_134 : memref<1x64x128xf32, #tpu.memory_space<hbm>> -> memref<64x128xf32, #tpu.memory_space<hbm>>
    %dma_wait3A_136 = arith.constant 0 : i32
    %dma_wait3A_137 = tpu.memref_slice %arg4[%dma_wait3A_132, %add3A_131, %dma_wait3A_136] : memref<50x4096x128xf32, #tpu.memory_space<hbm>> -> memref<1x64x128xf32, #tpu.memory_space<hbm>>
    %dma_wait3A_138 = tpu.memref_squeeze %dma_wait3A_137 : memref<1x64x128xf32, #tpu.memory_space<hbm>> -> memref<64x128xf32, #tpu.memory_space<hbm>>
    tpu.wait_dma2 semaphore(%arg32 : memref<!tpu.dma_semaphore, #tpu.memory_space<semaphore_mem>>) src(%arg12 : memref<64x128xf32, #tpu.memory_space<vmem>>) dst(%dma_wait3A_138 : memref<64x128xf32, #tpu.memory_space<hbm>>)
    %add3A_139 = arith.constant 64 : i32
    %add3A_140 = arith.addi %mul3A_2, %add3A_139 : i32
    %dma_wait3A_141 = arith.constant 47 : i32
    %dma_wait3A_142 = arith.constant 0 : i32
    %dma_wait3A_143 = tpu.memref_slice %arg4[%dma_wait3A_141, %add3A_140, %dma_wait3A_142] : memref<50x4096x128xf32, #tpu.memory_space<hbm>> -> memref<1x64x128xf32, #tpu.memory_space<hbm>>
    %dma_wait3A_144 = tpu.memref_squeeze %dma_wait3A_143 : memref<1x64x128xf32, #tpu.memory_space<hbm>> -> memref<64x128xf32, #tpu.memory_space<hbm>>
    %dma_wait3A_145 = arith.constant 0 : i32
    %dma_wait3A_146 = tpu.memref_slice %arg4[%dma_wait3A_141, %add3A_140, %dma_wait3A_145] : memref<50x4096x128xf32, #tpu.memory_space<hbm>> -> memref<1x64x128xf32, #tpu.memory_space<hbm>>
    %dma_wait3A_147 = tpu.memref_squeeze %dma_wait3A_146 : memref<1x64x128xf32, #tpu.memory_space<hbm>> -> memref<64x128xf32, #tpu.memory_space<hbm>>
    tpu.wait_dma2 semaphore(%arg33 : memref<!tpu.dma_semaphore, #tpu.memory_space<semaphore_mem>>) src(%arg13 : memref<64x128xf32, #tpu.memory_space<vmem>>) dst(%dma_wait3A_147 : memref<64x128xf32, #tpu.memory_space<hbm>>)
    %add3A_148 = arith.constant 64 : i32
    %add3A_149 = arith.addi %mul3A_2, %add3A_148 : i32
    %dma_wait3A_150 = arith.constant 48 : i32
    %dma_wait3A_151 = arith.constant 0 : i32
    %dma_wait3A_152 = tpu.memref_slice %arg4[%dma_wait3A_150, %add3A_149, %dma_wait3A_151] : memref<50x4096x128xf32, #tpu.memory_space<hbm>> -> memref<1x64x128xf32, #tpu.memory_space<hbm>>
    %dma_wait3A_153 = tpu.memref_squeeze %dma_wait3A_152 : memref<1x64x128xf32, #tpu.memory_space<hbm>> -> memref<64x128xf32, #tpu.memory_space<hbm>>
    %dma_wait3A_154 = arith.constant 0 : i32
    %dma_wait3A_155 = tpu.memref_slice %arg4[%dma_wait3A_150, %add3A_149, %dma_wait3A_154] : memref<50x4096x128xf32, #tpu.memory_space<hbm>> -> memref<1x64x128xf32, #tpu.memory_space<hbm>>
    %dma_wait3A_156 = tpu.memref_squeeze %dma_wait3A_155 : memref<1x64x128xf32, #tpu.memory_space<hbm>> -> memref<64x128xf32, #tpu.memory_space<hbm>>
    tpu.wait_dma2 semaphore(%arg34 : memref<!tpu.dma_semaphore, #tpu.memory_space<semaphore_mem>>) src(%arg14 : memref<64x128xf32, #tpu.memory_space<vmem>>) dst(%dma_wait3A_156 : memref<64x128xf32, #tpu.memory_space<hbm>>)
    %add3A_157 = arith.constant 64 : i32
    %add3A_158 = arith.addi %mul3A_2, %add3A_157 : i32
    %dma_wait3A_159 = arith.constant 49 : i32
    %dma_wait3A_160 = arith.constant 0 : i32
    %dma_wait3A_161 = tpu.memref_slice %arg4[%dma_wait3A_159, %add3A_158, %dma_wait3A_160] : memref<50x4096x128xf32, #tpu.memory_space<hbm>> -> memref<1x64x128xf32, #tpu.memory_space<hbm>>
    %dma_wait3A_162 = tpu.memref_squeeze %dma_wait3A_161 : memref<1x64x128xf32, #tpu.memory_space<hbm>> -> memref<64x128xf32, #tpu.memory_space<hbm>>
    %dma_wait3A_163 = arith.constant 0 : i32
    %dma_wait3A_164 = tpu.memref_slice %arg4[%dma_wait3A_159, %add3A_158, %dma_wait3A_163] : memref<50x4096x128xf32, #tpu.memory_space<hbm>> -> memref<1x64x128xf32, #tpu.memory_space<hbm>>
    %dma_wait3A_165 = tpu.memref_squeeze %dma_wait3A_164 : memref<1x64x128xf32, #tpu.memory_space<hbm>> -> memref<64x128xf32, #tpu.memory_space<hbm>>
    tpu.wait_dma2 semaphore(%arg35 : memref<!tpu.dma_semaphore, #tpu.memory_space<semaphore_mem>>) src(%arg15 : memref<64x128xf32, #tpu.memory_space<vmem>>) dst(%dma_wait3A_165 : memref<64x128xf32, #tpu.memory_space<hbm>>)
    return
  }
}

</mosaic_0001>

<sc_bundles>
// kernel: kernel.3.cloned.1.call-start
scs
__scs_entry_jumppad:
0x0: {  	(pc) =	sbr.rel $0x88, $3  }
0x1: {  	(tag) =	ssettag $0x0;
	lr =	simm.s32 $0x1  }
0x2: {  	[smem:$0x3F9F] =	sst lr;
	_ =	strace $0xD0000000  }
0x3: {  	_ = 	snop  }
0x4: {  	_ = 	snop  }
0x5: {  	_ = 	snop  }
0x6: {  	_ = 	snop  }
0x7: {  	_ = 	snop  }
__scs_overlays_trampoline_lowered:
0x8: {  	[smem:$0x3FAE] =	sst s0  }
0x9: {  	[smem:$0x3FAF] =	sst s1  }
0xa: {  	[smem:$0x3FB0] =	sst s2  }
0xb: {  	[smem:$0x3FB1] =	sst s3  }
0xc: {  	[smem:$0x3FB2] =	sst s4  }
0xd: {  	[smem:$0x3FB3] =	sst s5  }
0xe: {  	[smem:$0x3FB4] =	sst s6  }
0xf: {  	[smem:$0x3FB5] =	sst s7  }
0x10: {  	[smem:$0x3FB6] =	sst s8  }
0x11: {  	[smem:$0x3FB7] =	sst s9;
	s0 =	simm.s32 @!p0 $0x0  }
0x12: {  	s1 =	sld [smem:$0x3F9D];
	s0 =	simm.s32 @p0 $0x1  }
0x13: {  	[smem:$0x3FB8] =	sst s0;
	s0 =	simm.s32 @!p1 $0x0  }
0x14: {  	s2 =	sld [smem:$0x3F9C];
	s0 =	simm.s32 @p1 $0x1  }
0x15: {  	[smem:$0x3FB9] =	sst s0;
	s0 =	simm.s32 @!p2 $0x0  }
0x16: {  	s3 =	sld [smem:$0x3FDB];
	s0 =	simm.s32 @p2 $0x1  }
0x17: {  	s4 =	simm.s32 $0x1BF5;
	[smem:$0x3FBB] =	sst s0  }
0x18: {  	s0 =	sld [smem:$0x3F9E];
	_ =	swait.ge [sflag:s4], $0x0  }
0x19: {  	s7 =	sld [smem:$0x3F9F]  }
0x1a: {  	s8 =	sadd.s32 $0xFFFFE003, lr  }
0x1b: {  	s9 =	sadd.s32 $0xFFFFFEF7, lr;
	s5 =	simm.s32 $0xFFFFFFFF;
	p2 =	slt.u32 s8, $0xFFFFF086  }
0x1c: {  	p1 =	slt.u32 s9, $0xF7A;
	s5 =	simm.s32 @!p2 $0x0  }
0x1d: {  	s5 =	simm.s32 @p1 $0x1;
	p0 =	seq.s32 s7, s2  }
0x1e: {  	s7 =	smul.u32 @!p0 $0xF7A, s2;
	p2 =	seq.s32 @!p0 s5, $0x0  }
0x1f: {  	s9 =	smul.u32 $0xF7A, s1;
	s8 =	simm.s32 @!p0 $0x1BF5;
	p2 =	por !p2, p0  }
0x20: {  	[sflag:s8] =	ssyncset.s32 @!p0 $0xFFFFF086;
	s6 =	sadd.s32 @!p0 s3, s7;
	s7 =	simm.s32 @!p0 $0x108  }
0x21: {  	s3 =	sadd.s32 s3, s9;
	s6 =	sadd.s32 @!p0 $0x88, s6;
	s7 =	simm.s32 @p2 $0x1082  }
0x22: {  	[simem:s7], [sflag:s8] =	dma.local @!p0 [hbm:s6], $0xF7A  }
0x23: {  	s9 =	sor.u32 $0xD0000000, s2;
	s6 =	simm.s32 $0x108;
	_ =	swait.ge @!p0 [sflag:s8], $0x0  }
0x24: {  	s3 =	sadd.s32 $0x88, s3;
	s6 =	simm.s32 @!p1 $0x1082;
	[sflag:s4] =	ssyncset.s32 $0xFFFFF086  }
0x25: {  	[simem:s6], [sflag:s4] =	dma.local [hbm:s3], $0xF7A  }
0x26: {  	[smem:$0x3F9F] =	sst s1;
	(tag) =	ssettag s2;
	_ =	strace s9  }
0x27: {  	s1 =	sld [smem:$0x3FAF]  }
0x28: {  	s2 =	sld [smem:$0x3FB0]  }
0x29: {  	s4 =	sld [smem:$0x3FB2]  }
0x2a: {  	p0 =	seq.s32 s5, $0x0;
	s5 =	sld [smem:$0x3FB3]  }
0x2b: {  	s6 =	sld [smem:$0x3FB4]  }
0x2c: {  	s7 =	sld [smem:$0x3FB5]  }
0x2d: {  	s3 =	simm.s32 $0x108;
	s8 =	sld [smem:$0x3FB6]  }
0x2e: {  	s3 =	simm.s32 @!p0 $0x1082;
	s9 =	sld [smem:$0x3FB7]  }
0x2f: {  	lr =	sadd.s32 s0, s3;
	s0 =	sld [smem:$0x3FAE]  }
0x30: {  	s3 =	sld [smem:$0x3FB1]  }
0x31: {  	[smem:$0x3FBA] =	sst s10  }
0x32: {  	s10 =	sld [smem:$0x3FB8];
	_ =	sdelay $0x3  }
0x33: {  	p0 =	seq.s32 s10, $0x1;
	s10 =	sld [smem:$0x3FBA];
	_ =	sdelay $0x3  }
0x34: {  	[smem:$0x3FBA] =	sst s10  }
0x35: {  	s10 =	sld [smem:$0x3FB9];
	_ =	sdelay $0x3  }
0x36: {  	p1 =	seq.s32 s10, $0x1;
	s10 =	sld [smem:$0x3FBA];
	_ =	sdelay $0x3  }
0x37: {  	[smem:$0x3FBA] =	sst s10  }
0x38: {  	s10 =	sld [smem:$0x3FBB]  }
0x39: {  	_ = 	snop;
	(pc) =	sbr.ind lr, $3  }
0x3a: {  	_ = 	snop  }
0x3b: {  	_ = 	snop  }
0x3c: {  	p2 =	seq.s32 s10, $0x1;
	s10 =	sld [smem:$0x3FBA]  }
0x3d: {  	_ =	shalt  }
0x3e: {  	_ =	shalt  }
0x3f: {  	_ =	shalt  }
0x40: {  	_ =	shalt  }
0x41: {  	_ =	shalt  }
0x42: {  	_ =	shalt  }
0x43: {  	_ =	shalt  }
0x44: {  	_ =	shalt  }
0x45: {  	_ =	shalt  }
0x46: {  	_ =	shalt  }
0x47: {  	_ =	shalt  }
0x48: {  	_ =	shalt  }
0x49: {  	_ =	shalt  }
0x4a: {  	_ =	shalt  }
0x4b: {  	_ =	shalt  }
0x4c: {  	_ =	shalt  }
0x4d: {  	_ =	shalt  }
0x4e: {  	_ =	shalt  }
0x4f: {  	_ =	shalt  }
0x50: {  	_ =	shalt  }
0x51: {  	_ =	shalt  }
0x52: {  	_ =	shalt  }
0x53: {  	_ =	shalt  }
0x54: {  	_ =	shalt  }
0x55: {  	_ =	shalt  }
0x56: {  	_ =	shalt  }
0x57: {  	_ =	shalt  }
0x58: {  	_ =	shalt  }
0x59: {  	_ =	shalt  }
0x5a: {  	_ =	shalt  }
0x5b: {  	_ =	shalt  }
0x5c: {  	_ =	shalt  }
0x5d: {  	_ =	shalt  }
0x5e: {  	_ =	shalt  }
0x5f: {  	_ =	shalt  }
0x60: {  	_ =	shalt  }
0x61: {  	_ =	shalt  }
0x62: {  	_ =	shalt  }
0x63: {  	_ =	shalt  }
0x64: {  	_ =	shalt  }
0x65: {  	_ =	shalt  }
0x66: {  	_ =	shalt  }
0x67: {  	_ =	shalt  }
0x68: {  	_ =	shalt  }
0x69: {  	_ =	shalt  }
0x6a: {  	_ =	shalt  }
0x6b: {  	_ =	shalt  }
0x6c: {  	_ =	shalt  }
0x6d: {  	_ =	shalt  }
0x6e: {  	_ =	shalt  }
0x6f: {  	_ =	shalt  }
0x70: {  	_ =	shalt  }
0x71: {  	_ =	shalt  }
0x72: {  	_ =	shalt  }
0x73: {  	_ =	shalt  }
0x74: {  	_ =	shalt  }
0x75: {  	_ =	shalt  }
0x76: {  	_ =	shalt  }
0x77: {  	_ =	shalt  }
0x78: {  	_ =	shalt  }
0x79: {  	_ =	shalt  }
0x7a: {  	_ =	shalt  }
0x7b: {  	_ =	shalt  }
0x7c: {  	_ =	shalt  }
0x7d: {  	_ =	shalt  }
0x7e: {  	_ =	shalt  }
0x7f: {  	_ =	shalt  }
0x80: {  	_ =	shalt  }
0x81: {  	_ =	shalt  }
0x82: {  	_ =	shalt  }
0x83: {  	_ =	shalt  }
0x84: {  	_ =	shalt  }
0x85: {  	_ =	shalt  }
0x86: {  	_ =	shalt  }
0x87: {  	_ =	shalt  }
.Lfunc_end0:
.L_simem_size_0:
called_computation_lowered:
.L_overlay_start_0:
0x88: {  	s2 =	sld [smem:$0x3FD9]  }
0x89: {  	s3 =	sld [smem:$0x3FFE];
	_ =	sdelay $0x1  }
0x8a: {  	s1 =	srdreg.scid  }
0x8b: {  	s0 =	sand.u32 $0x1, s1  }
0x8c: {  	s18 =	sshll.u32 s0, $0xA;
	s2 =	sadd.s32 s3, s2  }
0x8d: {  	s2 =	sadd.s32 s2, s18  }
0x8e: {  	[smem:$0x3FC6] =	sst s2  }
0x8f: {  	_ = 	snop  }
0x90: {  	s2 =	sld [smem:$0x3FC9]  }
0x91: {  	s19 =	sld [smem:$0x3FC8]  }
0x92: {  	s4 =	sld [smem:$0x3FD0];
	(tm) =	ssettm $0x1  }
0x93: {  	s5 =	sld [smem:$0x3FFB];
	_ =	sdelay $0x3  }
0x94: {  	_ =	strace s5  }
0x95: {  	s5 =	sld [smem:$0x3FFC];
	_ =	sdelay $0x3  }
0x96: {  	_ =	strace s5  }
0x97: {  	s5 =	sld [smem:$0x3FFD];
	_ =	sdelay $0x3  }
0x98: {  	_ =	strace s5  }
0x99: {  	_ =	strace $0x8FFFFFFF  }
0x9a: {  	s20 =	sld [smem:$0x3FDB];
	_ =	sdelay $0x1  }
0x9b: {  	s6 =	simm.s32 $_scs_section_size  }
0x9c: {  	s7 =	simm.s32 $_size__tile_overlayer_lowered;
	s8 =	simm.s32 $_tile_overlayer_lowered  }
0x9d: {  	s23 =	simm.s32 $0x1BFF;
	s22 =	sshll.u32 s8, $0x1;
	s5 =	sadd.s32 s6, s20  }
0x9e: {  	s9 =	simm.s32 $0x0;
	s21 =	sshll.u32 s7, $0x1;
	s7 =	sadd.s32 s22, s5  }
0x9f: {  	[timem:s9], [sflag:s23] =	dma.local [hbm:s7], s21  }
0xa0: {  	_ =	swait.ge [sflag:s23], s21  }
0xa1: {  	s6 =	ssub.s32 $0x0, s21;
	[sflag:s23] =	ssyncset.done $0x0  }
0xa2: {  	[sflag:s23] =	ssyncadd.s32 s6;
	_ =	sdelay $0x1  }
0xa3: {  	s24 =	simm.s32 $0x1B8B  }
0xa4: {  	_ =	swait.ge [sflag:s24], $0x1  }
0xa5: {  	[sflag:s24] =	ssyncset.done $0x0  }
0xa6: {  	s25 =	simm.s32 $0x1B8E;
	[sflag:s24] =	ssyncadd.s32 $0xFFFFFFFF  }
0xa7: {  	s26 =	simm.s32 $execute0_lowered;
	[smem:$0x3FD2] =	sst s25  }
0xa8: {  	s6 =	sshll.u32 s26, $0x1;
	_ =	strace $0x80000046;
	[dreg:$0x1] =	wrdreg $0xFFFFFFFF  }
0xa9: {  	s28 =	simm.s32 $_size_execute0_lowered;
	s5 =	sadd.s32 s5, s6;
	[dreg:$0x0] =	wrdreg $0x0  }
0xaa: {  	s6 =	sshll.u32 s28, $0x1;
	[dreg:$0x2] =	wrdreg s5  }
0xab: {  	[dreg:$0x3] =	wrdreg s6  }
0xac: {  	[dreg:$0x4] =	wrdreg $0xC0  }
0xad: {  	_ =	task [dreg:s9], $0x5FFFF  }
0xae: {  	[dreg:$0x1] =	wrdreg $0xFFFFFFFF  }
0xaf: {  	[dreg:$0x0] =	wrdreg $0x60  }
0xb0: {  	[dreg:$0x2] =	wrdreg s2  }
0xb1: {  	[dreg:$0x3] =	wrdreg s19  }
0xb2: {  	[dreg:$0x4] =	wrdreg s4  }
0xb3: {  	[dreg:$0x5] =	wrdreg $0x9  }
0xb4: {  	_ =	task.clear_ibuf [dreg:s9], $0x6FFFF;
	_ =	strace $0x90000046  }
0xb5: {  	s29 =	simm.s32 $0x9;
	_ =	strace $0x80000048  }
0xb6: {  	_ =	swait.ge [sflag:s29], $0x1  }
0xb7: {  	[sflag:s29] =	ssyncadd.s32 $0xFFFFFFFF  }
0xb8: {  	_ =	strace $0x90000048  }
0xb9: {  	_ =	sfence  }
0xba: {  	s30 =	sld [smem:$0x0];
	_ =	sdelay $0x2  }
0xbb: {  	s31 =	sshll.u32 s1, $0xD;
	s1 =	sshrl.u32 s1, $0x2  }
0xbc: {  	s3 =	sand.u32 $0x4000, s31;
	s1 =	sadd.s32 s1, s30  }
0xbd: {  	s0 =	sor.u32 s3, s0;
	s1 =	sshll.u32 s1, $0x11  }
0xbe: {  	s0 =	sor.u32 s1, s0  }
0xbf: {  	s0 =	sadd.s32 $0x8F2B, s0  }
0xc0: {  	[sflag:s0] =	ssyncadd.remote.s32 $0x1  }
0xc1: {  	_ =	sfence.sel $0xFFFF  }
0xc2: {  	[dreg:$0x0] =	wrdreg $0xFFFFFFFF;
	(pc) =	sbr.abs _section_cstart, $3  }
0xc3: {  	[dreg:$0x1] =	wrdreg $0xFFFFFFFF  }
0xc4: {  	_ =	task.clear_ibuf [dreg:s9], $0x2FFFF;
	_ =	strace $0x9FFFFFFF  }
0xc5: {  	(tm) =	ssettm $0x7FFFFFFF  }
tec
execute0_lowered:
.L_overlay_start_1:
0x0: {  	(tag) =	ssettag $0x1  }
0x1: {  	s0 =	rddreg [dreg:$0x0]  }
0x2: {  	s1 =	rddreg [dreg:$0x1]  }
0x3: {  	s6 =	rddreg [dreg:$0x2];
	s2 =	srdreg.scid  }
0x4: {  	s4 =	simm.s32 $0x0;
	s3 =	stileid.u32;
	s14 =	simm.s32 $0x40  }
0x5: {  	s12 =	simm.s32 $0x1C00;
	s16 =	simm.s32 $0x3C00;
	s18 =	simm.s32 $0x5C00  }
0x6: {  	s20 =	simm.s32 $0x7C00;
	s22 =	simm.s32 $0x9C00;
	s24 =	simm.s32 $0xBC00  }
0x7: {  	s25 =	simm.s32 $0xDC00;
	s26 =	simm.s32 $0xFC00;
	s9 =	simm.s32 $0xD  }
0x8: {  	s13 =	simm.s32 $0xF;
	s8 =	simm.s32 $0x12;
	s15 =	simm.s32 $0x13  }
0x9: {  	s17 =	simm.s32 $0x14;
	s10 =	simm.s32 $0x0;
	s2 =	sand.u32 $0x1, s2  }
0xa: {  	[smem:$0x7FF] =	sst s4;
	s3 =	sshll.u32 s3, $0x8;
	s5 =	sshll.u32 s2, $0x7  }
0xb: {  	_ =	strace $0x80000047;
	s2 =	ssub.s32 $0x2, s2;
	s3 =	sor.u32 s5, s3  }
0xc: {  	s28 =	sshrl.u32 s2, $0x1;
	s5 =	simm.s32 $0xE;
	s7 =	sadd.s32 s0, s3  }
.Ltmp0:
0xd: {  	s3 =	sshll.u32 s3, $0x4;
	[dreg:$0x4] =	wrdreg s7;
	(pc) =	sbr.rel .LBB2_1-.Ltmp0, $4  }
0xe: {  	s29 =	ssub.s32 s2, s28;
	s30 =	sadd.s32 $0x6000, s7;
	[dreg:$0x5] =	wrdreg s3  }
0xf: {  	s31 =	sadd.s32 s6, s3;
	s0 =	smax.u32 s29, $0x1;
	[dreg:$0x6] =	wrdreg s30  }
0x10: {  	s7 =	simm.s32 $0xC;
	s3 =	simm.s32 $0x10;
	[dreg:$0x7] =	wrdreg s31  }
0x11: {  	s6 =	simm.s32 $0x11;
	[dreg:$0x8] =	wrdreg s0;
	s0 =	simm.s32 $0x11C00  }
.LBB2_4:
0x12: {  	_ =	swait.ge [sflag:s7], $0x2000  }
0x13: {  	[sflag:s7] =	ssyncset.done $0x0  }
0x14: {  	[sflag:s7] =	ssyncadd.s32 $0xFFFFE000  }
0x15: {  	_ =	swait.ge [sflag:s9], $0x2000  }
0x16: {  	[sflag:s9] =	ssyncset.done $0x0  }
0x17: {  	[sflag:s9] =	ssyncadd.s32 $0xFFFFE000  }
0x18: {  	_ =	swait.ge [sflag:s5], $0x2000  }
0x19: {  	[sflag:s5] =	ssyncset.done $0x0  }
0x1a: {  	[sflag:s5] =	ssyncadd.s32 $0xFFFFE000  }
0x1b: {  	_ =	swait.ge [sflag:s13], $0x2000  }
0x1c: {  	[sflag:s13] =	ssyncset.done $0x0  }
0x1d: {  	[sflag:s13] =	ssyncadd.s32 $0xFFFFE000  }
0x1e: {  	_ =	swait.ge [sflag:s3], $0x2000  }
0x1f: {  	[sflag:s3] =	ssyncset.done $0x0  }
0x20: {  	[sflag:s3] =	ssyncadd.s32 $0xFFFFE000  }
0x21: {  	_ =	swait.ge [sflag:s6], $0x2000  }
0x22: {  	[sflag:s6] =	ssyncset.done $0x0  }
0x23: {  	[sflag:s6] =	ssyncadd.s32 $0xFFFFE000  }
0x24: {  	_ =	swait.ge [sflag:s8], $0x2000  }
0x25: {  	[sflag:s8] =	ssyncset.done $0x0  }
0x26: {  	[sflag:s8] =	ssyncadd.s32 $0xFFFFE000  }
0x27: {  	_ =	swait.ge [sflag:s15], $0x2000  }
0x28: {  	[sflag:s15] =	ssyncset.done $0x0  }
0x29: {  	[sflag:s15] =	ssyncadd.s32 $0xFFFFE000  }
0x2a: {  	_ =	swait.ge [sflag:s17], $0x2000  }
0x2b: {  	s10 =	rddreg [dreg:$0x9]  }
0x2c: {  	s2 =	rddreg [dreg:$0x8];
	s10 =	sadd.s32 $0x1, s10  }
0x2d: {  	p0 =	sne.s32 s10, s2  }
.Ltmp1:
0x2e: {  	_ = 	snop;
	(pc) =	sbr.rel @!p0 .LBB2_5-.Ltmp1, $3  }
0x2f: {  	_ =	sdelay $0x1  }
0x30: {  	[sflag:s17] =	ssyncset.done $0x0  }
0x31: {  	s12 =	simm.s32 $0x1C00;
	[sflag:s17] =	ssyncadd.s32 $0xFFFFE000  }
.LBB2_1:
0x32: {  	[dreg:$0x9] =	wrdreg s10  }
0x33: {  	s2 =	rddreg [dreg:$0x4];
	s11 =	simm.s32 $0x400;
	s19 =	simm.s32 $0x8000  }
0x34: {  	[tilespmem:s4], [sflag:$0x15] =	stream.strided.gather [hbm4b:s2+s11], $0x1800, s19, s11, $0x38;
	[tilespmem:$0x15C00] =	vst v63  }
0x35: {  	s28 =	rddreg [dreg:$0x6];
	s30 =	simm.s32 $0x1800;
	s31 =	simm.s32 $0x15  }
0x36: {  	[tilespmem:s30], [sflag:$0x15] =	stream.linear.gather [hbm4b:s28+s4], $0x100, $0x38;
	[tilespmem:$0x15C00] =	vst v63  }
0x37: {  	_ =	swait.ge [sflag:s31], $0x1900  }
0x38: {  	[sflag:s31] =	ssyncset.done $0x0  }
0x39: {  	[sflag:s31] =	ssyncadd.s32 $0xFFFFE700  }
0x3a: {  	[tilespmem:s12], [sflag:$0x1] =	stream.indirect.gather [hbm4b:s1+s14], $0x80, s4, s14, $0xb8;
	[tilespmem:$0x15C00] =	vst v63  }
0x3b: {  	s10 =	simm.s32 $0x80  }
0x3c: {  	[tilespmem:s16], [sflag:$0x2] =	stream.indirect.gather [hbm4b:s1+s14], $0x80, s10, s14, $0xb8;
	[tilespmem:$0x15C00] =	vst v63  }
0x3d: {  	s16 =	simm.s32 $0x100  }
0x3e: {  	[tilespmem:s18], [sflag:$0x3] =	stream.indirect.gather [hbm4b:s1+s14], $0x80, s16, s14, $0xb8;
	[tilespmem:$0x15C00] =	vst v63  }
0x3f: {  	s19 =	simm.s32 $0x180  }
0x40: {  	[tilespmem:s20], [sflag:$0x4] =	stream.indirect.gather [hbm4b:s1+s14], $0x80, s19, s14, $0xb8;
	[tilespmem:$0x15C00] =	vst v63  }
0x41: {  	s21 =	simm.s32 $0x200;
	s23 =	simm.s32 $0x280  }
0x42: {  	[tilespmem:s22], [sflag:$0x5] =	stream.indirect.gather [hbm4b:s1+s14], $0x80, s21, s14, $0xb8;
	[tilespmem:$0x15C00] =	vst v63  }
0x43: {  	s29 =	simm.s32 $0xFC00;
	s28 =	simm.s32 $0x300;
	s30 =	simm.s32 $0x380  }
0x44: {  	[tilespmem:s24], [sflag:$0x6] =	stream.indirect.gather [hbm4b:s1+s14], $0x80, s23, s14, $0xb8;
	[tilespmem:$0x15C00] =	vst v63  }
0x45: {  	s31 =	simm.s32 $0x480;
	s10 =	simm.s32 $0x13C00;
	s16 =	simm.s32 $0x3C00  }
0x46: {  	[tilespmem:s25], [sflag:$0x7] =	stream.indirect.gather [hbm4b:s1+s14], $0x80, s28, s14, $0xb8;
	[tilespmem:$0x15C00] =	vst v63  }
0x47: {  	s18 =	simm.s32 $0x5C00;
	s19 =	simm.s32 $0x0;
	s20 =	simm.s32 $0x7C00  }
0x48: {  	[tilespmem:s26], [sflag:$0x8] =	stream.indirect.gather [hbm4b:s1+s14], $0x80, s30, s14, $0xb8;
	[tilespmem:$0x15C00] =	vst v63  }
0x49: {  	s21 =	simm.s32 $0x0;
	s22 =	simm.s32 $0x9C00;
	s23 =	simm.s32 $0x0  }
0x4a: {  	[tilespmem:s0], [sflag:$0x9] =	stream.indirect.gather [hbm4b:s1+s14], $0x80, s11, s14, $0xb8;
	[tilespmem:$0x15C00] =	vst v63  }
0x4b: {  	s24 =	simm.s32 $0xBC00;
	s26 =	simm.s32 $0xDC00;
	s0 =	simm.s32 $0x11C00  }
0x4c: {  	[tilespmem:s10], [sflag:$0xA] =	stream.indirect.gather [hbm4b:s1+s14], $0x80, s31, s14, $0xb8;
	[tilespmem:$0x15C00] =	vst v63  }
.LBB2_2:
0x4d: {  	p1 =	sgt.u32 s21, $0x4;
	s11 =	simm.s32 $0x1  }
0x4e: {  	s25 =	simm.s32 $0x400;
	p0 =	slt.u32 s21, $0x5;
	_ =	swait.ge [sflag:s11], $0x2000  }
0x4f: {  	s25 =	simm.s32 @!p1 $0x0;
	s2 =	rddreg [dreg:$0x5];
	[sflag:s11] =	ssyncset.done $0x0  }
0x50: {  	s28 =	sadd.s32 $0xFFCE0000, s19;
	s30 =	sor.u32 s2, s25;
	s31 =	rddreg [dreg:$0x2]  }
0x51: {  	s28 =	smov.u32 @p0 s19;
	s30 =	sadd.s32 s31, s30  }
0x52: {  	[sflag:s11] =	ssyncadd.s32 $0xFFFFE000;
	s28 =	sadd.s32 s28, s30  }
0x53: {  	[hbm4b:s28+s4] =	stream.linear.scatter [tilespmem:s12], [sflag:$0xB], $0x2000, $0x38;
	[tilespmem:$0x15C00] =	vst v63  }
0x54: {  	s11 =	simm.s32 $0x2;
	s31 =	sadd.s32 $0xFFFFFFCF, s23;
	s28 =	sadd.s32 $0x1, s23  }
0x55: {  	s31 =	smov.u32 @p0 s28;
	_ =	swait.ge [sflag:s11], $0x2000  }
0x56: {  	[sflag:s11] =	ssyncset.done $0x0;
	s28 =	sshll.u32 s31, $0x10  }
0x57: {  	s28 =	sadd.s32 s28, s30;
	[sflag:s11] =	ssyncadd.s32 $0xFFFFE000  }
0x58: {  	[hbm4b:s28+s4] =	stream.linear.scatter [tilespmem:s16], [sflag:$0xC], $0x2000, $0x38;
	[tilespmem:$0x15C00] =	vst v63  }
0x59: {  	s31 =	simm.s32 $0x3;
	s28 =	simm.s32 $0x2  }
0x5a: {  	s28 =	simm.s32 @!p0 $0xFFFFFFD0;
	_ =	swait.ge [sflag:s31], $0x2000  }
0x5b: {  	s28 =	sadd.s32 s23, s28;
	s16 =	rddreg [dreg:$0x7]  }
0x5c: {  	[sflag:s31] =	ssyncset.done $0x0;
	s28 =	sshll.u32 s28, $0x10;
	s25 =	sadd.s32 s25, s16  }
0x5d: {  	[sflag:s31] =	ssyncadd.s32 $0xFFFFE000;
	s28 =	sadd.s32 s28, s25  }
0x5e: {  	[hbm4b:s28+s4] =	stream.linear.scatter [tilespmem:s18], [sflag:$0xD], $0x2000, $0x38;
	[tilespmem:$0x15C00] =	vst v63  }
0x5f: {  	s28 =	simm.s32 $0x3  }
0x60: {  	s18 =	simm.s32 $0x4;
	s28 =	simm.s32 @!p0 $0xFFFFFFD1  }
0x61: {  	_ =	swait.ge [sflag:s18], $0x2000;
	s28 =	sadd.s32 s23, s28  }
0x62: {  	[sflag:s18] =	ssyncset.done $0x0;
	s28 =	sshll.u32 s28, $0x10  }
0x63: {  	[sflag:s18] =	ssyncadd.s32 $0xFFFFE000;
	s28 =	sadd.s32 s28, s25  }
0x64: {  	[hbm4b:s28+s4] =	stream.linear.scatter [tilespmem:s20], [sflag:$0xE], $0x2000, $0x38;
	[tilespmem:$0x15C00] =	vst v63  }
0x65: {  	s28 =	simm.s32 $0xFFFFFFD2  }
0x66: {  	s20 =	simm.s32 $0x5;
	s28 =	simm.s32 @!p1 $0x4  }
0x67: {  	_ =	swait.ge [sflag:s20], $0x2000;
	s28 =	sadd.s32 s23, s28  }
0x68: {  	[sflag:s20] =	ssyncset.done $0x0;
	s28 =	sshll.u32 s28, $0x10  }
0x69: {  	[sflag:s20] =	ssyncadd.s32 $0xFFFFE000;
	s28 =	sadd.s32 s28, s25  }
0x6a: {  	[hbm4b:s28+s4] =	stream.linear.scatter [tilespmem:s22], [sflag:$0xF], $0x2000, $0x38;
	[tilespmem:$0x15C00] =	vst v63  }
0x6b: {  	s28 =	simm.s32 $0x5  }
0x6c: {  	s22 =	simm.s32 $0x6;
	s28 =	simm.s32 @!p0 $0xFFFFFFD3  }
0x6d: {  	_ =	swait.ge [sflag:s22], $0x2000;
	s28 =	sadd.s32 s23, s28  }
0x6e: {  	[sflag:s22] =	ssyncset.done $0x0;
	s28 =	sshll.u32 s28, $0x10  }
0x6f: {  	[sflag:s22] =	ssyncadd.s32 $0xFFFFE000;
	s28 =	sadd.s32 s28, s25  }
0x70: {  	[hbm4b:s28+s4] =	stream.linear.scatter [tilespmem:s24], [sflag:$0x10], $0x2000, $0x38;
	[tilespmem:$0x15C00] =	vst v63  }
0x71: {  	s28 =	simm.s32 $0x6  }
0x72: {  	s24 =	simm.s32 $0x7;
	s28 =	simm.s32 @!p0 $0xFFFFFFD4  }
0x73: {  	_ =	swait.ge [sflag:s24], $0x2000;
	s28 =	sadd.s32 s23, s28  }
0x74: {  	[sflag:s24] =	ssyncset.done $0x0;
	s28 =	sshll.u32 s28, $0x10  }
0x75: {  	[sflag:s24] =	ssyncadd.s32 $0xFFFFE000;
	s28 =	sadd.s32 s28, s25  }
0x76: {  	[hbm4b:s28+s4] =	stream.linear.scatter [tilespmem:s26], [sflag:$0x11], $0x2000, $0x38;
	[tilespmem:$0x15C00] =	vst v63  }
0x77: {  	s28 =	simm.s32 $0x7  }
0x78: {  	s26 =	simm.s32 $0x8;
	s28 =	simm.s32 @!p0 $0xFFFFFFD5  }
0x79: {  	_ =	swait.ge [sflag:s26], $0x2000;
	s28 =	sadd.s32 s23, s28  }
0x7a: {  	[sflag:s26] =	ssyncset.done $0x0;
	s28 =	sshll.u32 s28, $0x10  }
0x7b: {  	[sflag:s26] =	ssyncadd.s32 $0xFFFFE000;
	s28 =	sadd.s32 s28, s25  }
0x7c: {  	[hbm4b:s28+s4] =	stream.linear.scatter [tilespmem:s29], [sflag:$0x12], $0x2000, $0x38;
	[tilespmem:$0x15C00] =	vst v63  }
0x7d: {  	s28 =	simm.s32 $0x8  }
0x7e: {  	s29 =	simm.s32 $0x9;
	s28 =	simm.s32 @!p0 $0xFFFFFFD6  }
0x7f: {  	_ =	swait.ge [sflag:s29], $0x2000;
	s28 =	sadd.s32 s23, s28  }
0x80: {  	[sflag:s29] =	ssyncset.done $0x0;
	s28 =	sshll.u32 s28, $0x10  }
0x81: {  	s12 =	simm.s32 $0x1C00;
	[sflag:s29] =	ssyncadd.s32 $0xFFFFE000;
	s28 =	sadd.s32 s28, s25  }
0x82: {  	[hbm4b:s28+s4] =	stream.linear.scatter [tilespmem:s0], [sflag:$0x13], $0x2000, $0x38;
	[tilespmem:$0x15C00] =	vst v63  }
0x83: {  	s30 =	simm.s32 $0xA;
	s31 =	simm.s32 $0xB;
	s28 =	simm.s32 $0x9  }
0x84: {  	s16 =	simm.s32 $0x3C00;
	s18 =	simm.s32 $0x5C00;
	s28 =	simm.s32 @!p0 $0xFFFFFFD7  }
0x85: {  	s20 =	simm.s32 $0x7C00;
	_ =	swait.ge [sflag:s30], $0x2000;
	s28 =	sadd.s32 s23, s28  }
0x86: {  	p0 =	seq.s32 s23, $0x5A;
	[sflag:s30] =	ssyncset.done $0x0;
	s28 =	sshll.u32 s28, $0x10  }
.Ltmp2:
0x87: {  	[sflag:s30] =	ssyncadd.s32 $0xFFFFE000;
	s25 =	sadd.s32 s28, s25;
	(pc) =	sbr.rel @p0 .LBB2_4-.Ltmp2, $4  }
0x88: {  	[hbm4b:s25+s4] =	stream.linear.scatter [tilespmem:s10], [sflag:$0x14], $0x2000, $0x38;
	[tilespmem:$0x15C00] =	vst v63  }
0x89: {  	s22 =	simm.s32 $0x9C00;
	s24 =	simm.s32 $0xBC00;
	_ =	swait.ge [sflag:s31], $0x2000  }
0x8a: {  	s26 =	simm.s32 $0xFC00;
	s0 =	simm.s32 $0x11C00;
	[sflag:s31] =	ssyncset.done $0x0  }
0x8b: {  	s25 =	simm.s32 $0xDC00;
	s10 =	simm.s32 $0x13C00;
	[sflag:s31] =	ssyncadd.s32 $0xFFFFE000  }
0x8c: {  	s25 =	sadd.s32 $0xA, s23  }
0x8d: {  	s28 =	sand.u32 $0xFF, s25  }
0x8e: {  	s28 =	smul.u32 $0x29, s28;
	_ =	sdelay $0x1  }
0x8f: {  	s28 =	sshrl.u32 s28, $0xB  }
0x90: {  	s30 =	smul.u32 $0x32, s28  }
0x91: {  	s31 =	sadd.s32 $0xB, s23  }
0x92: {  	s2 =	sand.u32 $0xFF, s31;
	s30 =	ssub.s32 s25, s30  }
0x93: {  	s2 =	smul.u32 $0x29, s2;
	s28 =	sshll.u32 s28, $0x6;
	s30 =	sand.u32 $0xFF, s30  }
0x94: {  	s11 =	sand.u32 $0x180, s28;
	s30 =	sshll.u32 s30, $0x7  }
0x95: {  	s2 =	sshrl.u32 s2, $0xB;
	s28 =	sand.u32 $0x40, s28;
	s11 =	sadd.s32 s11, s30  }
0x96: {  	s30 =	smul.u32 $0x32, s2;
	s11 =	sor.u32 s28, s11  }
0x97: {  	[tilespmem:s12], [sflag:$0x1] =	stream.indirect.gather [hbm4b:s1+s14], $0x80, s11, s14, $0xb8;
	[tilespmem:$0x15C00] =	vst v63  }
0x98: {  	s30 =	ssub.s32 s31, s30  }
0x99: {  	s2 =	sshll.u32 s2, $0x6;
	s11 =	sand.u32 $0xFF, s30;
	s30 =	sadd.s32 $0xC, s23  }
0x9a: {  	s31 =	sand.u32 $0x180, s2;
	s11 =	sshll.u32 s11, $0x7;
	s12 =	sand.u32 $0xFF, s30  }
0x9b: {  	s16 =	simm.s32 $0x3C00;
	s11 =	sadd.s32 s31, s11;
	s31 =	smul.u32 $0x29, s12  }
0x9c: {  	s18 =	simm.s32 $0x5C00;
	s28 =	sadd.s32 $0xD, s23;
	_ =	swait.ge [sflag:s7], $0x2000  }
0x9d: {  	s2 =	sand.u32 $0x40, s2;
	[sflag:s7] =	ssyncset.done $0x0;
	s12 =	sshrl.u32 s31, $0xB  }
0x9e: {  	[sflag:s7] =	ssyncadd.s32 $0xFFFFE000;
	s2 =	sor.u32 s2, s11;
	s11 =	smul.u32 $0x32, s12  }
0x9f: {  	[tilespmem:s16], [sflag:$0x2] =	stream.indirect.gather [hbm4b:s1+s14], $0x80, s2, s14, $0xb8;
	[tilespmem:$0x15C00] =	vst v63  }
0xa0: {  	s31 =	sand.u32 $0xFF, s28;
	_ =	swait.ge [sflag:s9], $0x2000;
	s11 =	ssub.s32 s30, s11  }
0xa1: {  	s2 =	sshll.u32 s12, $0x6;
	s30 =	smul.u32 $0x29, s31;
	s11 =	sand.u32 $0xFF, s11  }
0xa2: {  	[sflag:s9] =	ssyncset.done $0x0;
	s12 =	sand.u32 $0x180, s2;
	s11 =	sshll.u32 s11, $0x7  }
0xa3: {  	s2 =	sand.u32 $0x40, s2;
	s30 =	sshrl.u32 s30, $0xB;
	s11 =	sadd.s32 s12, s11  }
0xa4: {  	[sflag:s9] =	ssyncadd.s32 $0xFFFFE000;
	s31 =	smul.u32 $0x32, s30;
	s2 =	sor.u32 s2, s11  }
0xa5: {  	[tilespmem:s18], [sflag:$0x3] =	stream.indirect.gather [hbm4b:s1+s14], $0x80, s2, s14, $0xb8;
	[tilespmem:$0x15C00] =	vst v63  }
0xa6: {  	s12 =	sshll.u32 s30, $0x6;
	s11 =	ssub.s32 s28, s31  }
0xa7: {  	s30 =	sadd.s32 $0xE, s23;
	s31 =	sand.u32 $0x180, s12;
	s2 =	sand.u32 $0xFF, s11  }
0xa8: {  	s11 =	sand.u32 $0x40, s12;
	s12 =	sand.u32 $0xFF, s30;
	s2 =	sshll.u32 s2, $0x7  }
0xa9: {  	s2 =	sadd.s32 s31, s2;
	s31 =	smul.u32 $0x29, s12  }
0xaa: {  	s20 =	simm.s32 $0x7C00;
	s22 =	simm.s32 $0x9C00;
	_ =	swait.ge [sflag:s5], $0x2000  }
0xab: {  	s28 =	sadd.s32 $0xF, s23;
	[sflag:s5] =	ssyncset.done $0x0;
	s12 =	sshrl.u32 s31, $0xB  }
0xac: {  	[sflag:s5] =	ssyncadd.s32 $0xFFFFE000;
	s2 =	sor.u32 s11, s2;
	s11 =	smul.u32 $0x32, s12  }
0xad: {  	[tilespmem:s20], [sflag:$0x4] =	stream.indirect.gather [hbm4b:s1+s14], $0x80, s2, s14, $0xb8;
	[tilespmem:$0x15C00] =	vst v63  }
0xae: {  	s31 =	sand.u32 $0xFF, s28;
	_ =	swait.ge [sflag:s13], $0x2000;
	s11 =	ssub.s32 s30, s11  }
0xaf: {  	s2 =	sshll.u32 s12, $0x6;
	s30 =	smul.u32 $0x29, s31;
	s11 =	sand.u32 $0xFF, s11  }
0xb0: {  	[sflag:s13] =	ssyncset.done $0x0;
	s12 =	sand.u32 $0x180, s2;
	s11 =	sshll.u32 s11, $0x7  }
0xb1: {  	s2 =	sand.u32 $0x40, s2;
	s30 =	sshrl.u32 s30, $0xB;
	s11 =	sadd.s32 s12, s11  }
0xb2: {  	[sflag:s13] =	ssyncadd.s32 $0xFFFFE000;
	s31 =	smul.u32 $0x32, s30;
	s2 =	sor.u32 s2, s11  }
0xb3: {  	[tilespmem:s22], [sflag:$0x5] =	stream.indirect.gather [hbm4b:s1+s14], $0x80, s2, s14, $0xb8;
	[tilespmem:$0x15C00] =	vst v63  }
0xb4: {  	s24 =	simm.s32 $0xBC00;
	s12 =	sshll.u32 s30, $0x6;
	s11 =	ssub.s32 s28, s31  }
0xb5: {  	s30 =	sadd.s32 $0x10, s23;
	s31 =	sand.u32 $0x180, s12;
	s2 =	sand.u32 $0xFF, s11  }
0xb6: {  	_ =	swait.ge [sflag:s3], $0x2000;
	s11 =	sand.u32 $0x40, s12;
	s2 =	sshll.u32 s2, $0x7  }
0xb7: {  	s12 =	sand.u32 $0xFF, s30;
	[sflag:s3] =	ssyncset.done $0x0;
	s2 =	sadd.s32 s31, s2  }
0xb8: {  	[sflag:s3] =	ssyncadd.s32 $0xFFFFE000;
	s31 =	smul.u32 $0x29, s12;
	s2 =	sor.u32 s11, s2  }
0xb9: {  	[tilespmem:s24], [sflag:$0x6] =	stream.indirect.gather [hbm4b:s1+s14], $0x80, s2, s14, $0xb8;
	[tilespmem:$0x15C00] =	vst v63  }
0xba: {  	s12 =	sshrl.u32 s31, $0xB  }
0xbb: {  	s28 =	sadd.s32 $0x11, s23;
	s11 =	smul.u32 $0x32, s12  }
0xbc: {  	s29 =	simm.s32 $0xFC00;
	s26 =	simm.s32 $0xDC00;
	s31 =	sand.u32 $0xFF, s28  }
0xbd: {  	_ =	swait.ge [sflag:s6], $0x2000;
	s2 =	sshll.u32 s12, $0x6;
	s11 =	ssub.s32 s30, s11  }
0xbe: {  	[sflag:s6] =	ssyncset.done $0x0;
	s30 =	smul.u32 $0x29, s31;
	s11 =	sand.u32 $0xFF, s11  }
0xbf: {  	s12 =	sand.u32 $0x180, s2;
	s2 =	sand.u32 $0x40, s2;
	s11 =	sshll.u32 s11, $0x7  }
0xc0: {  	[sflag:s6] =	ssyncadd.s32 $0xFFFFE000;
	s30 =	sshrl.u32 s30, $0xB;
	s11 =	sadd.s32 s12, s11  }
0xc1: {  	s12 =	smul.u32 $0x32, s30;
	s2 =	sor.u32 s2, s11;
	s11 =	sadd.s32 $0x12, s23  }
0xc2: {  	[tilespmem:s26], [sflag:$0x7] =	stream.indirect.gather [hbm4b:s1+s14], $0x80, s2, s14, $0xb8;
	[tilespmem:$0x15C00] =	vst v63  }
0xc3: {  	s31 =	ssub.s32 s28, s12;
	s28 =	sshll.u32 s30, $0x6;
	s30 =	sand.u32 $0xFF, s11  }
0xc4: {  	s2 =	sand.u32 $0xFF, s31;
	s12 =	sand.u32 $0x180, s28;
	s30 =	smul.u32 $0x29, s30  }
0xc5: {  	_ =	swait.ge [sflag:s8], $0x2000;
	s28 =	sand.u32 $0x40, s28;
	s2 =	sshll.u32 s2, $0x7  }
0xc6: {  	[sflag:s8] =	ssyncset.done $0x0;
	s2 =	sadd.s32 s12, s2;
	s30 =	sshrl.u32 s30, $0xB  }
0xc7: {  	[sflag:s8] =	ssyncadd.s32 $0xFFFFE000;
	s2 =	sor.u32 s28, s2;
	s12 =	smul.u32 $0x32, s30  }
0xc8: {  	[tilespmem:s29], [sflag:$0x8] =	stream.indirect.gather [hbm4b:s1+s14], $0x80, s2, s14, $0xb8;
	[tilespmem:$0x15C00] =	vst v63  }
0xc9: {  	s31 =	ssub.s32 s11, s12;
	s11 =	sadd.s32 $0x13, s23  }
0xca: {  	s0 =	simm.s32 $0x11C00;
	s2 =	sand.u32 $0xFF, s31;
	s31 =	sand.u32 $0xFF, s11  }
0xcb: {  	s12 =	sshll.u32 s30, $0x6;
	_ =	swait.ge [sflag:s15], $0x2000;
	s28 =	smul.u32 $0x29, s31  }
0xcc: {  	s30 =	sand.u32 $0x180, s12;
	[sflag:s15] =	ssyncset.done $0x0;
	s2 =	sshll.u32 s2, $0x7  }
0xcd: {  	s23 =	sand.u32 $0x40, s12;
	s2 =	sadd.s32 s30, s2;
	s28 =	sshrl.u32 s28, $0xB  }
0xce: {  	[sflag:s15] =	ssyncadd.s32 $0xFFFFE000;
	s2 =	sor.u32 s23, s2;
	s12 =	smul.u32 $0x32, s28  }
0xcf: {  	[tilespmem:s0], [sflag:$0x9] =	stream.indirect.gather [hbm4b:s1+s14], $0x80, s2, s14, $0xb8;
	[tilespmem:$0x15C00] =	vst v63  }
0xd0: {  	s21 =	sadd.s32 $0x1, s21;
	s23 =	ssub.s32 s11, s12  }
0xd1: {  	s30 =	sshll.u32 s28, $0x6;
	_ =	swait.ge [sflag:s17], $0x2000;
	s2 =	sand.u32 $0xFF, s23  }
.Ltmp3:
0xd2: {  	s31 =	sand.u32 $0x180, s30;
	s2 =	sshll.u32 s2, $0x7;
	(pc) =	sbr.rel .LBB2_2-.Ltmp3, $4  }
0xd3: {  	[sflag:s17] =	ssyncset.done $0x0;
	s11 =	sand.u32 $0x40, s30;
	s2 =	sadd.s32 s31, s2  }
0xd4: {  	s19 =	sadd.s32 $0xA0000, s19;
	[sflag:s17] =	ssyncadd.s32 $0xFFFFE000;
	s2 =	sor.u32 s11, s2  }
0xd5: {  	[tilespmem:s10], [sflag:$0xA] =	stream.indirect.gather [hbm4b:s1+s14], $0x80, s2, s14, $0xb8;
	[tilespmem:$0x15C00] =	vst v63  }
0xd6: {  	s12 =	simm.s32 $0x1C00;
	s23 =	smov.u32 s25;
	s10 =	simm.s32 $0x13C00  }
.LBB2_5:
0xd7: {  	_ =	sfence.sel $0x180000  }
0xd8: {  	[bflag:$0x0] =	sbarrier.arrive $0xFFFF  }
0xd9: {  	_ =	strace $0x90000047  }
0xda: {  	s0 =	stileid.u32;
	[bflag:$0x2] =	sbarrier.arrive $0xFFFF  }
0xdb: {  	p0 =	sne.s32 s0, $0x0;
	s0 =	rddreg [dreg:$0x3]  }
0xdc: {  	s0 =	sadd.s32 @!p0 $0x100000, s0  }
0xdd: {  	[sflag:s0] =	ssyncadd.tile.s32 @!p0 $0x1;
	_ =	shalt  }
.Lfunc_end2:
_tile_overlayer_lowered:
.L_overlay_start_2:
0xde: {  	(tag) =	ssettag $0x2  }
0xdf: {  	s0 =	rddreg [dreg:$0x0];
	s2 =	stileid.u32  }
0xe0: {  	s1 =	rddreg [dreg:$0x1];
	p0 =	sne.s32 s2, $0x0  }
0xe1: {  	s3 =	rddreg [dreg:$0x2];
	[bflag:$0x3] =	sbarrier.arrive $0xFFFF;
	s2 =	simm.s32 @!p0 $0x1C15  }
0xe2: {  	[timem:s3], [sflag:s2] =	dma.local @!p0 [hbm:s0], s1  }
0xe3: {  	s0 =	simm.s32 @!p0 $0x15  }
0xe4: {  	_ =	swait.ge @!p0 [sflag:s0], s1  }
0xe5: {  	s1 =	ssub.s32 @!p0 $0x0, s1;
	[sflag:s0] =	ssyncset.done @!p0 $0x0  }
0xe6: {  	[sflag:s0] =	ssyncadd.s32 @!p0 s1  }
0xe7: {  	[bflag:$0x3] =	sbarrier.arrive $0xFFFF  }
0xe8: {  	_ =	shalt  }

</sc_bundles>
